<compile_context>
chip_gen: v7x
topology: tpu7x:2x2x1
jax: 0.10.2.dev20260603
libtpu: 0.0.44.dev20260713+nightly
codegen_flags: <defaults>
</compile_context>

<pallas_src>
import functools

import jax
import jax.numpy as jnp
from jax import lax
from jax.experimental import pallas as pl
from jax.experimental.pallas import tpu as pltpu
from jax.experimental.pallas import tpu_sc as plsc

_NUM_ROWS = 32
_NUM_COLS = 32
_EMBED_DIM = 768
_LANES = 16
_CHUNKS = _EMBED_DIM // _LANES
_RPT = 2

_mesh = plsc.VectorSubcoreMesh(
    core_axis_name="c", subcore_axis_name="s", num_cores=1
)


@functools.partial(
    pl.kernel,
    mesh=_mesh,
    out_type=jax.ShapeDtypeStruct((_NUM_ROWS * _NUM_COLS, _EMBED_DIM), jnp.float32),
    scratch_types=[
        pltpu.VMEM((_RPT * _EMBED_DIM,), jnp.float32),
        pltpu.VMEM((_RPT * _NUM_COLS, _EMBED_DIM), jnp.float32),
        pltpu.SemaphoreType.DMA,
        pltpu.SemaphoreType.DMA,
        pltpu.SemaphoreType.DMA,
    ],
)
def _pos2d(wrow_hbm, wcol_hbm, out_hbm, wr_v, out_v, rsem, csem, osem):
    wid = lax.axis_index("s")
    row_cp = pltpu.async_copy(
        wrow_hbm.at[pl.ds((1 + _RPT * wid) * _EMBED_DIM, _RPT * _EMBED_DIM)],
        wr_v,
        rsem,
    )
    init0 = pltpu.async_copy(wcol_hbm, out_v.at[pl.ds(0, _NUM_COLS)], csem)
    init1 = pltpu.async_copy(wcol_hbm, out_v.at[pl.ds(_NUM_COLS, _NUM_COLS)], csem)
    row_cp.wait()
    init0.wait()
    init1.wait()

    for r in range(_RPT):
        wr_regs = [
            wr_v[pl.ds(r * _EMBED_DIM + j * _LANES, _LANES)] for j in range(_CHUNKS)
        ]

        def col_body(c, _):
            for j in range(_CHUNKS):
                plsc.addupdate(out_v.at[c, pl.ds(j * _LANES, _LANES)], wr_regs[j])
            return 0

        lax.fori_loop(r * _NUM_COLS, (r + 1) * _NUM_COLS, col_body, 0)
        pltpu.async_copy(
            out_v.at[pl.ds(r * _NUM_COLS, _NUM_COLS)],
            out_hbm.at[pl.ds(wid * (_RPT * _NUM_COLS) + r * _NUM_COLS, _NUM_COLS)],
            osem,
        )

    pltpu.make_async_copy(
        out_v, out_hbm.at[pl.ds(wid * (_RPT * _NUM_COLS), _RPT * _NUM_COLS)], osem
    ).wait()


def kernel(input, W_row, W_col):
    del input
    wr = W_row.reshape((1 + _NUM_ROWS) * _EMBED_DIM)
    wc = W_col[1 : 1 + _NUM_COLS]
    out = _pos2d(wr, wc)
    return out.reshape(1, _NUM_ROWS * _NUM_COLS, _EMBED_DIM)

# --- scband reference (transcript-rebuilt; emitter-appended) ---
"""Pipeline reference for scband-positional-embedding2-d-1211180778246 (READ-ONLY COPY).

The authoritative reference and input builder live on the scoring server;
editing this copy changes nothing except your own understanding.
"""

import jax, jax.numpy as jnp
import numpy as np

NUM_ROWS = 32
NUM_COLS = 32
EMBED_DIM = 768
PADDING_IDX = 0
SEQ_LEN = NUM_ROWS * NUM_COLS
BATCH = 64


def setup_inputs(seed: int = 0) -> dict:
    key = jax.random.key(seed)
    k1, k2, k3 = jax.random.split(key, 3)
    inp = jax.random.normal(k1, (BATCH, SEQ_LEN, EMBED_DIM), dtype=jnp.float32)
    # Learned positional tables, fairseq-style: num_embeddings = num_positions + padding_idx + 1
    W_row = jax.random.normal(k2, (NUM_ROWS + PADDING_IDX + 1, EMBED_DIM), dtype=jnp.float32) * 0.02
    W_col = jax.random.normal(k3, (NUM_COLS + PADDING_IDX + 1, EMBED_DIM), dtype=jnp.float32) * 0.02
    return {"input": inp, "W_row": W_row, "W_col": W_col}


def reference(input, W_row, W_col):
    assert input.shape[1] == SEQ_LEN, 'Input shape mismatch'
    assert input.shape[2] == EMBED_DIM, 'Input dimension mismatch'
    # Positions for an all-ones dummy input: padding_idx + 1 .. padding_idx + N
    pos_r = PADDING_IDX + 1 + jnp.arange(NUM_ROWS)
    pos_c = PADDING_IDX + 1 + jnp.arange(NUM_COLS)
    emb_row = jnp.take(W_row, pos_r, axis=0)  # (num_rows, embed_dim)
    emb_col = jnp.take(W_col, pos_c, axis=0)  # (num_cols, embed_dim)
    # expand row over cols, col over rows, then sum (use_2d == 'sum')
    pe_row = jnp.broadcast_to(emb_row[None, :, None, :], (1, NUM_ROWS, NUM_COLS, EMBED_DIM))
    pe_col = jnp.broadcast_to(emb_col[None, None, :, :], (1, NUM_ROWS, NUM_COLS, EMBED_DIM))
    pos_embed = pe_row + pe_col
    pos_embed = pos_embed.reshape(1, NUM_ROWS * NUM_COLS, EMBED_DIM)
    return pos_embed

if __name__ == "__main__":
    import jax
    _d = setup_inputs()
    print(jax.jit(kernel)(*tuple(_d.values())))

</pallas_src>

<mosaic_0001>
#map = affine_map<(d0, d1) -> (0)>
#map1 = affine_map<(d0, d1) -> (0, 0)>
module attributes {stable_mosaic.version = 14 : i64} {
  func.func @_pos2d(%arg0: i32, %arg1: i32, %arg2: memref<25344xf32, #tpu.memory_space<hbm>>, %arg3: memref<32x768xf32, #tpu.memory_space<hbm>>, %arg4: memref<1024x768xf32, #tpu.memory_space<hbm>>, %arg5: memref<1536xf32, #tpu.memory_space<vmem>>, %arg6: memref<64x768xf32, #tpu.memory_space<vmem>>, %arg7: memref<!tpu.dma_semaphore, #tpu.memory_space<semaphore_mem>>, %arg8: memref<!tpu.dma_semaphore, #tpu.memory_space<semaphore_mem>>, %arg9: memref<!tpu.dma_semaphore, #tpu.memory_space<semaphore_mem>>) attributes {dimension_semantics = [#tpu.dimension_semantics<core_parallel>, #tpu.dimension_semantics<subcore_parallel>], iteration_bounds = array<i64: 1, 16>, scalar_prefetch = 0 : i64, scratch_operands = 5 : i64, tpu.core_type = #tpu.core_type<sc_vector_subcore>, window_params = [{transform_indices = #map}, {transform_indices = #map1}, {transform_indices = #map1}]} {
    %mul3A = arith.constant 2 : i32
    %mul3A_0 = arith.muli %mul3A, %arg1 : i32
    %add3A = arith.constant 1 : i32
    %add3A_1 = arith.addi %add3A, %mul3A_0 : i32
    %mul3A_2 = arith.constant 768 : i32
    %mul3A_3 = arith.muli %add3A_1, %mul3A_2 : i32
    %dma_start3A = tpu.memref_slice %arg2[%mul3A_3] : memref<25344xf32, #tpu.memory_space<hbm>> -> memref<1536xf32, #tpu.memory_space<hbm>>
    %dma_start3A_4 = tpu.memref_slice %arg2[%mul3A_3] : memref<25344xf32, #tpu.memory_space<hbm>> -> memref<1536xf32, #tpu.memory_space<hbm>>
    tpu.enqueue_dma source(%dma_start3A_4 : memref<1536xf32, #tpu.memory_space<hbm>>) target(%arg5 : memref<1536xf32, #tpu.memory_space<vmem>>) target_semaphore(%arg7 : memref<!tpu.dma_semaphore, #tpu.memory_space<semaphore_mem>>)
    %dma_start3A_5 = arith.constant 0 : i32
    %dma_start3A_6 = arith.constant 0 : i32
    %dma_start3A_7 = tpu.memref_slice %arg6[%dma_start3A_5, %dma_start3A_6] : memref<64x768xf32, #tpu.memory_space<vmem>> -> memref<32x768xf32, #tpu.memory_space<vmem>>
    %dma_start3A_8 = arith.constant 0 : i32
    %dma_start3A_9 = arith.constant 0 : i32
    %dma_start3A_10 = tpu.memref_slice %arg6[%dma_start3A_8, %dma_start3A_9] : memref<64x768xf32, #tpu.memory_space<vmem>> -> memref<32x768xf32, #tpu.memory_space<vmem>>
    tpu.enqueue_dma source(%arg3 : memref<32x768xf32, #tpu.memory_space<hbm>>) target(%dma_start3A_10 : memref<32x768xf32, #tpu.memory_space<vmem>>) target_semaphore(%arg8 : memref<!tpu.dma_semaphore, #tpu.memory_space<semaphore_mem>>)
    %dma_start3A_11 = arith.constant 32 : i32
    %dma_start3A_12 = arith.constant 0 : i32
    %dma_start3A_13 = tpu.memref_slice %arg6[%dma_start3A_11, %dma_start3A_12] : memref<64x768xf32, #tpu.memory_space<vmem>> -> memref<32x768xf32, #tpu.memory_space<vmem>>
    %dma_start3A_14 = arith.constant 32 : i32
    %dma_start3A_15 = arith.constant 0 : i32
    %dma_start3A_16 = tpu.memref_slice %arg6[%dma_start3A_14, %dma_start3A_15] : memref<64x768xf32, #tpu.memory_space<vmem>> -> memref<32x768xf32, #tpu.memory_space<vmem>>
    tpu.enqueue_dma source(%arg3 : memref<32x768xf32, #tpu.memory_space<hbm>>) target(%dma_start3A_16 : memref<32x768xf32, #tpu.memory_space<vmem>>) target_semaphore(%arg8 : memref<!tpu.dma_semaphore, #tpu.memory_space<semaphore_mem>>)
    %dma_wait3A = tpu.memref_slice %arg2[%mul3A_3] : memref<25344xf32, #tpu.memory_space<hbm>> -> memref<1536xf32, #tpu.memory_space<hbm>>
    %dma_wait3A_17 = tpu.memref_slice %arg2[%mul3A_3] : memref<25344xf32, #tpu.memory_space<hbm>> -> memref<1536xf32, #tpu.memory_space<hbm>>
    tpu.wait_dma2 semaphore(%arg7 : memref<!tpu.dma_semaphore, #tpu.memory_space<semaphore_mem>>) src(%dma_wait3A_17 : memref<1536xf32, #tpu.memory_space<hbm>>) dst(%arg5 : memref<1536xf32, #tpu.memory_space<vmem>>)
    %dma_wait3A_18 = arith.constant 0 : i32
    %dma_wait3A_19 = arith.constant 0 : i32
    %dma_wait3A_20 = tpu.memref_slice %arg6[%dma_wait3A_18, %dma_wait3A_19] : memref<64x768xf32, #tpu.memory_space<vmem>> -> memref<32x768xf32, #tpu.memory_space<vmem>>
    %dma_wait3A_21 = arith.constant 0 : i32
    %dma_wait3A_22 = arith.constant 0 : i32
    %dma_wait3A_23 = tpu.memref_slice %arg6[%dma_wait3A_21, %dma_wait3A_22] : memref<64x768xf32, #tpu.memory_space<vmem>> -> memref<32x768xf32, #tpu.memory_space<vmem>>
    tpu.wait_dma2 semaphore(%arg8 : memref<!tpu.dma_semaphore, #tpu.memory_space<semaphore_mem>>) src(%arg3 : memref<32x768xf32, #tpu.memory_space<hbm>>) dst(%dma_wait3A_23 : memref<32x768xf32, #tpu.memory_space<vmem>>)
    %dma_wait3A_24 = arith.constant 32 : i32
    %dma_wait3A_25 = arith.constant 0 : i32
    %dma_wait3A_26 = tpu.memref_slice %arg6[%dma_wait3A_24, %dma_wait3A_25] : memref<64x768xf32, #tpu.memory_space<vmem>> -> memref<32x768xf32, #tpu.memory_space<vmem>>
    %dma_wait3A_27 = arith.constant 32 : i32
    %dma_wait3A_28 = arith.constant 0 : i32
    %dma_wait3A_29 = tpu.memref_slice %arg6[%dma_wait3A_27, %dma_wait3A_28] : memref<64x768xf32, #tpu.memory_space<vmem>> -> memref<32x768xf32, #tpu.memory_space<vmem>>
    tpu.wait_dma2 semaphore(%arg8 : memref<!tpu.dma_semaphore, #tpu.memory_space<semaphore_mem>>) src(%arg3 : memref<32x768xf32, #tpu.memory_space<hbm>>) dst(%dma_wait3A_29 : memref<32x768xf32, #tpu.memory_space<vmem>>)
    %get3A = arith.constant 0 : index
    %get3A_30 = tpu.vector_load %arg5[%get3A] {strides = array<i32>} : memref<1536xf32, #tpu.memory_space<vmem>>, vector<16xf32>,
    %get3A_31 = vector.shape_cast %get3A_30 : vector<16xf32> to vector<16xf32>
    %get3A_32 = arith.constant 16 : index
    %get3A_33 = tpu.vector_load %arg5[%get3A_32] {strides = array<i32>} : memref<1536xf32, #tpu.memory_space<vmem>>, vector<16xf32>,
    %get3A_34 = vector.shape_cast %get3A_33 : vector<16xf32> to vector<16xf32>
    %get3A_35 = arith.constant 32 : index
    %get3A_36 = tpu.vector_load %arg5[%get3A_35] {strides = array<i32>} : memref<1536xf32, #tpu.memory_space<vmem>>, vector<16xf32>,
    %get3A_37 = vector.shape_cast %get3A_36 : vector<16xf32> to vector<16xf32>
    %get3A_38 = arith.constant 48 : index
    %get3A_39 = tpu.vector_load %arg5[%get3A_38] {strides = array<i32>} : memref<1536xf32, #tpu.memory_space<vmem>>, vector<16xf32>,
    %get3A_40 = vector.shape_cast %get3A_39 : vector<16xf32> to vector<16xf32>
    %get3A_41 = arith.constant 64 : index
    %get3A_42 = tpu.vector_load %arg5[%get3A_41] {strides = array<i32>} : memref<1536xf32, #tpu.memory_space<vmem>>, vector<16xf32>,
    %get3A_43 = vector.shape_cast %get3A_42 : vector<16xf32> to vector<16xf32>
    %get3A_44 = arith.constant 80 : index
    %get3A_45 = tpu.vector_load %arg5[%get3A_44] {strides = array<i32>} : memref<1536xf32, #tpu.memory_space<vmem>>, vector<16xf32>,
    %get3A_46 = vector.shape_cast %get3A_45 : vector<16xf32> to vector<16xf32>
    %get3A_47 = arith.constant 96 : index
    %get3A_48 = tpu.vector_load %arg5[%get3A_47] {strides = array<i32>} : memref<1536xf32, #tpu.memory_space<vmem>>, vector<16xf32>,
    %get3A_49 = vector.shape_cast %get3A_48 : vector<16xf32> to vector<16xf32>
    %get3A_50 = arith.constant 112 : index
    %get3A_51 = tpu.vector_load %arg5[%get3A_50] {strides = array<i32>} : memref<1536xf32, #tpu.memory_space<vmem>>, vector<16xf32>,
    %get3A_52 = vector.shape_cast %get3A_51 : vector<16xf32> to vector<16xf32>
    %get3A_53 = arith.constant 128 : index
    %get3A_54 = tpu.vector_load %arg5[%get3A_53] {strides = array<i32>} : memref<1536xf32, #tpu.memory_space<vmem>>, vector<16xf32>,
    %get3A_55 = vector.shape_cast %get3A_54 : vector<16xf32> to vector<16xf32>
    %get3A_56 = arith.constant 144 : index
    %get3A_57 = tpu.vector_load %arg5[%get3A_56] {strides = array<i32>} : memref<1536xf32, #tpu.memory_space<vmem>>, vector<16xf32>,
    %get3A_58 = vector.shape_cast %get3A_57 : vector<16xf32> to vector<16xf32>
    %get3A_59 = arith.constant 160 : index
    %get3A_60 = tpu.vector_load %arg5[%get3A_59] {strides = array<i32>} : memref<1536xf32, #tpu.memory_space<vmem>>, vector<16xf32>,
    %get3A_61 = vector.shape_cast %get3A_60 : vector<16xf32> to vector<16xf32>
    %get3A_62 = arith.constant 176 : index
    %get3A_63 = tpu.vector_load %arg5[%get3A_62] {strides = array<i32>} : memref<1536xf32, #tpu.memory_space<vmem>>, vector<16xf32>,
    %get3A_64 = vector.shape_cast %get3A_63 : vector<16xf32> to vector<16xf32>
    %get3A_65 = arith.constant 192 : index
    %get3A_66 = tpu.vector_load %arg5[%get3A_65] {strides = array<i32>} : memref<1536xf32, #tpu.memory_space<vmem>>, vector<16xf32>,
    %get3A_67 = vector.shape_cast %get3A_66 : vector<16xf32> to vector<16xf32>
    %get3A_68 = arith.constant 208 : index
    %get3A_69 = tpu.vector_load %arg5[%get3A_68] {strides = array<i32>} : memref<1536xf32, #tpu.memory_space<vmem>>, vector<16xf32>,
    %get3A_70 = vector.shape_cast %get3A_69 : vector<16xf32> to vector<16xf32>
    %get3A_71 = arith.constant 224 : index
    %get3A_72 = tpu.vector_load %arg5[%get3A_71] {strides = array<i32>} : memref<1536xf32, #tpu.memory_space<vmem>>, vector<16xf32>,
    %get3A_73 = vector.shape_cast %get3A_72 : vector<16xf32> to vector<16xf32>
    %get3A_74 = arith.constant 240 : index
    %get3A_75 = tpu.vector_load %arg5[%get3A_74] {strides = array<i32>} : memref<1536xf32, #tpu.memory_space<vmem>>, vector<16xf32>,
    %get3A_76 = vector.shape_cast %get3A_75 : vector<16xf32> to vector<16xf32>
    %get3A_77 = arith.constant 256 : index
    %get3A_78 = tpu.vector_load %arg5[%get3A_77] {strides = array<i32>} : memref<1536xf32, #tpu.memory_space<vmem>>, vector<16xf32>,
    %get3A_79 = vector.shape_cast %get3A_78 : vector<16xf32> to vector<16xf32>
    %get3A_80 = arith.constant 272 : index
    %get3A_81 = tpu.vector_load %arg5[%get3A_80] {strides = array<i32>} : memref<1536xf32, #tpu.memory_space<vmem>>, vector<16xf32>,
    %get3A_82 = vector.shape_cast %get3A_81 : vector<16xf32> to vector<16xf32>
    %get3A_83 = arith.constant 288 : index
    %get3A_84 = tpu.vector_load %arg5[%get3A_83] {strides = array<i32>} : memref<1536xf32, #tpu.memory_space<vmem>>, vector<16xf32>,
    %get3A_85 = vector.shape_cast %get3A_84 : vector<16xf32> to vector<16xf32>
    %get3A_86 = arith.constant 304 : index
    %get3A_87 = tpu.vector_load %arg5[%get3A_86] {strides = array<i32>} : memref<1536xf32, #tpu.memory_space<vmem>>, vector<16xf32>,
    %get3A_88 = vector.shape_cast %get3A_87 : vector<16xf32> to vector<16xf32>
    %get3A_89 = arith.constant 320 : index
    %get3A_90 = tpu.vector_load %arg5[%get3A_89] {strides = array<i32>} : memref<1536xf32, #tpu.memory_space<vmem>>, vector<16xf32>,
    %get3A_91 = vector.shape_cast %get3A_90 : vector<16xf32> to vector<16xf32>
    %get3A_92 = arith.constant 336 : index
    %get3A_93 = tpu.vector_load %arg5[%get3A_92] {strides = array<i32>} : memref<1536xf32, #tpu.memory_space<vmem>>, vector<16xf32>,
    %get3A_94 = vector.shape_cast %get3A_93 : vector<16xf32> to vector<16xf32>
    %get3A_95 = arith.constant 352 : index
    %get3A_96 = tpu.vector_load %arg5[%get3A_95] {strides = array<i32>} : memref<1536xf32, #tpu.memory_space<vmem>>, vector<16xf32>,
    %get3A_97 = vector.shape_cast %get3A_96 : vector<16xf32> to vector<16xf32>
    %get3A_98 = arith.constant 368 : index
    %get3A_99 = tpu.vector_load %arg5[%get3A_98] {strides = array<i32>} : memref<1536xf32, #tpu.memory_space<vmem>>, vector<16xf32>,
    %get3A_100 = vector.shape_cast %get3A_99 : vector<16xf32> to vector<16xf32>
    %get3A_101 = arith.constant 384 : index
    %get3A_102 = tpu.vector_load %arg5[%get3A_101] {strides = array<i32>} : memref<1536xf32, #tpu.memory_space<vmem>>, vector<16xf32>,
    %get3A_103 = vector.shape_cast %get3A_102 : vector<16xf32> to vector<16xf32>
    %get3A_104 = arith.constant 400 : index
    %get3A_105 = tpu.vector_load %arg5[%get3A_104] {strides = array<i32>} : memref<1536xf32, #tpu.memory_space<vmem>>, vector<16xf32>,
    %get3A_106 = vector.shape_cast %get3A_105 : vector<16xf32> to vector<16xf32>
    %get3A_107 = arith.constant 416 : index
    %get3A_108 = tpu.vector_load %arg5[%get3A_107] {strides = array<i32>} : memref<1536xf32, #tpu.memory_space<vmem>>, vector<16xf32>,
    %get3A_109 = vector.shape_cast %get3A_108 : vector<16xf32> to vector<16xf32>
    %get3A_110 = arith.constant 432 : index
    %get3A_111 = tpu.vector_load %arg5[%get3A_110] {strides = array<i32>} : memref<1536xf32, #tpu.memory_space<vmem>>, vector<16xf32>,
    %get3A_112 = vector.shape_cast %get3A_111 : vector<16xf32> to vector<16xf32>
    %get3A_113 = arith.constant 448 : index
    %get3A_114 = tpu.vector_load %arg5[%get3A_113] {strides = array<i32>} : memref<1536xf32, #tpu.memory_space<vmem>>, vector<16xf32>,
    %get3A_115 = vector.shape_cast %get3A_114 : vector<16xf32> to vector<16xf32>
    %get3A_116 = arith.constant 464 : index
    %get3A_117 = tpu.vector_load %arg5[%get3A_116] {strides = array<i32>} : memref<1536xf32, #tpu.memory_space<vmem>>, vector<16xf32>,
    %get3A_118 = vector.shape_cast %get3A_117 : vector<16xf32> to vector<16xf32>
    %get3A_119 = arith.constant 480 : index
    %get3A_120 = tpu.vector_load %arg5[%get3A_119] {strides = array<i32>} : memref<1536xf32, #tpu.memory_space<vmem>>, vector<16xf32>,
    %get3A_121 = vector.shape_cast %get3A_120 : vector<16xf32> to vector<16xf32>
    %get3A_122 = arith.constant 496 : index
    %get3A_123 = tpu.vector_load %arg5[%get3A_122] {strides = array<i32>} : memref<1536xf32, #tpu.memory_space<vmem>>, vector<16xf32>,
    %get3A_124 = vector.shape_cast %get3A_123 : vector<16xf32> to vector<16xf32>
    %get3A_125 = arith.constant 512 : index
    %get3A_126 = tpu.vector_load %arg5[%get3A_125] {strides = array<i32>} : memref<1536xf32, #tpu.memory_space<vmem>>, vector<16xf32>,
    %get3A_127 = vector.shape_cast %get3A_126 : vector<16xf32> to vector<16xf32>
    %get3A_128 = arith.constant 528 : index
    %get3A_129 = tpu.vector_load %arg5[%get3A_128] {strides = array<i32>} : memref<1536xf32, #tpu.memory_space<vmem>>, vector<16xf32>,
    %get3A_130 = vector.shape_cast %get3A_129 : vector<16xf32> to vector<16xf32>
    %get3A_131 = arith.constant 544 : index
    %get3A_132 = tpu.vector_load %arg5[%get3A_131] {strides = array<i32>} : memref<1536xf32, #tpu.memory_space<vmem>>, vector<16xf32>,
    %get3A_133 = vector.shape_cast %get3A_132 : vector<16xf32> to vector<16xf32>
    %get3A_134 = arith.constant 560 : index
    %get3A_135 = tpu.vector_load %arg5[%get3A_134] {strides = array<i32>} : memref<1536xf32, #tpu.memory_space<vmem>>, vector<16xf32>,
    %get3A_136 = vector.shape_cast %get3A_135 : vector<16xf32> to vector<16xf32>
    %get3A_137 = arith.constant 576 : index
    %get3A_138 = tpu.vector_load %arg5[%get3A_137] {strides = array<i32>} : memref<1536xf32, #tpu.memory_space<vmem>>, vector<16xf32>,
    %get3A_139 = vector.shape_cast %get3A_138 : vector<16xf32> to vector<16xf32>
    %get3A_140 = arith.constant 592 : index
    %get3A_141 = tpu.vector_load %arg5[%get3A_140] {strides = array<i32>} : memref<1536xf32, #tpu.memory_space<vmem>>, vector<16xf32>,
    %get3A_142 = vector.shape_cast %get3A_141 : vector<16xf32> to vector<16xf32>
    %get3A_143 = arith.constant 608 : index
    %get3A_144 = tpu.vector_load %arg5[%get3A_143] {strides = array<i32>} : memref<1536xf32, #tpu.memory_space<vmem>>, vector<16xf32>,
    %get3A_145 = vector.shape_cast %get3A_144 : vector<16xf32> to vector<16xf32>
    %get3A_146 = arith.constant 624 : index
    %get3A_147 = tpu.vector_load %arg5[%get3A_146] {strides = array<i32>} : memref<1536xf32, #tpu.memory_space<vmem>>, vector<16xf32>,
    %get3A_148 = vector.shape_cast %get3A_147 : vector<16xf32> to vector<16xf32>
    %get3A_149 = arith.constant 640 : index
    %get3A_150 = tpu.vector_load %arg5[%get3A_149] {strides = array<i32>} : memref<1536xf32, #tpu.memory_space<vmem>>, vector<16xf32>,
    %get3A_151 = vector.shape_cast %get3A_150 : vector<16xf32> to vector<16xf32>
    %get3A_152 = arith.constant 656 : index
    %get3A_153 = tpu.vector_load %arg5[%get3A_152] {strides = array<i32>} : memref<1536xf32, #tpu.memory_space<vmem>>, vector<16xf32>,
    %get3A_154 = vector.shape_cast %get3A_153 : vector<16xf32> to vector<16xf32>
    %get3A_155 = arith.constant 672 : index
    %get3A_156 = tpu.vector_load %arg5[%get3A_155] {strides = array<i32>} : memref<1536xf32, #tpu.memory_space<vmem>>, vector<16xf32>,
    %get3A_157 = vector.shape_cast %get3A_156 : vector<16xf32> to vector<16xf32>
    %get3A_158 = arith.constant 688 : index
    %get3A_159 = tpu.vector_load %arg5[%get3A_158] {strides = array<i32>} : memref<1536xf32, #tpu.memory_space<vmem>>, vector<16xf32>,
    %get3A_160 = vector.shape_cast %get3A_159 : vector<16xf32> to vector<16xf32>
    %get3A_161 = arith.constant 704 : index
    %get3A_162 = tpu.vector_load %arg5[%get3A_161] {strides = array<i32>} : memref<1536xf32, #tpu.memory_space<vmem>>, vector<16xf32>,
    %get3A_163 = vector.shape_cast %get3A_162 : vector<16xf32> to vector<16xf32>
    %get3A_164 = arith.constant 720 : index
    %get3A_165 = tpu.vector_load %arg5[%get3A_164] {strides = array<i32>} : memref<1536xf32, #tpu.memory_space<vmem>>, vector<16xf32>,
    %get3A_166 = vector.shape_cast %get3A_165 : vector<16xf32> to vector<16xf32>
    %get3A_167 = arith.constant 736 : index
    %get3A_168 = tpu.vector_load %arg5[%get3A_167] {strides = array<i32>} : memref<1536xf32, #tpu.memory_space<vmem>>, vector<16xf32>,
    %get3A_169 = vector.shape_cast %get3A_168 : vector<16xf32> to vector<16xf32>
    %get3A_170 = arith.constant 752 : index
    %get3A_171 = tpu.vector_load %arg5[%get3A_170] {strides = array<i32>} : memref<1536xf32, #tpu.memory_space<vmem>>, vector<16xf32>,
    %get3A_172 = vector.shape_cast %get3A_171 : vector<16xf32> to vector<16xf32>
    %scan3A = arith.constant 0 : i32
    %scan3A_173 = arith.constant 0 : i32
    %scan3A_174 = arith.constant 32 : i32
    %scan3A_175 = arith.addi %scan3A_173, %scan3A_174 : i32
    %scan3A_176 = arith.constant 1 : i32
    %scan3A_177 = scf.for %scan3A_364 = %scan3A_173 to %scan3A_175 step %scan3A_176 iter_args(%scan3A_365 = %scan3A) -> (i32)  : i32 {
      %swap3A = arith.index_cast %scan3A_364 : i32 to index
      %swap3A_366 = arith.constant 0 : index
      %swap3A_367 = tpu.vector_load %arg6[%swap3A, %swap3A_366] {strides = array<i32>} : memref<64x768xf32, #tpu.memory_space<vmem>>, vector<1x16xf32>,
      %swap3A_368 = vector.shape_cast %swap3A_367 : vector<1x16xf32> to vector<16xf32>
      %swap3A_369 = vector.shape_cast %get3A_31 : vector<16xf32> to vector<1x16xf32>
      tpu.vector_store %arg6[%swap3A, %swap3A_366], %swap3A_369 {add = true, strides = array<i32>} : memref<64x768xf32, #tpu.memory_space<vmem>>, vector<1x16xf32>,
      %swap3A_370 = arith.index_cast %scan3A_364 : i32 to index
      %swap3A_371 = arith.constant 16 : index
      %swap3A_372 = tpu.vector_load %arg6[%swap3A_370, %swap3A_371] {strides = array<i32>} : memref<64x768xf32, #tpu.memory_space<vmem>>, vector<1x16xf32>,
      %swap3A_373 = vector.shape_cast %swap3A_372 : vector<1x16xf32> to vector<16xf32>
      %swap3A_374 = vector.shape_cast %get3A_34 : vector<16xf32> to vector<1x16xf32>
      tpu.vector_store %arg6[%swap3A_370, %swap3A_371], %swap3A_374 {add = true, strides = array<i32>} : memref<64x768xf32, #tpu.memory_space<vmem>>, vector<1x16xf32>,
      %swap3A_375 = arith.index_cast %scan3A_364 : i32 to index
      %swap3A_376 = arith.constant 32 : index
      %swap3A_377 = tpu.vector_load %arg6[%swap3A_375, %swap3A_376] {strides = array<i32>} : memref<64x768xf32, #tpu.memory_space<vmem>>, vector<1x16xf32>,
      %swap3A_378 = vector.shape_cast %swap3A_377 : vector<1x16xf32> to vector<16xf32>
      %swap3A_379 = vector.shape_cast %get3A_37 : vector<16xf32> to vector<1x16xf32>
      tpu.vector_store %arg6[%swap3A_375, %swap3A_376], %swap3A_379 {add = true, strides = array<i32>} : memref<64x768xf32, #tpu.memory_space<vmem>>, vector<1x16xf32>,
      %swap3A_380 = arith.index_cast %scan3A_364 : i32 to index
      %swap3A_381 = arith.constant 48 : index
      %swap3A_382 = tpu.vector_load %arg6[%swap3A_380, %swap3A_381] {strides = array<i32>} : memref<64x768xf32, #tpu.memory_space<vmem>>, vector<1x16xf32>,
      %swap3A_383 = vector.shape_cast %swap3A_382 : vector<1x16xf32> to vector<16xf32>
      %swap3A_384 = vector.shape_cast %get3A_40 : vector<16xf32> to vector<1x16xf32>
      tpu.vector_store %arg6[%swap3A_380, %swap3A_381], %swap3A_384 {add = true, strides = array<i32>} : memref<64x768xf32, #tpu.memory_space<vmem>>, vector<1x16xf32>,
      %swap3A_385 = arith.index_cast %scan3A_364 : i32 to index
      %swap3A_386 = arith.constant 64 : index
      %swap3A_387 = tpu.vector_load %arg6[%swap3A_385, %swap3A_386] {strides = array<i32>} : memref<64x768xf32, #tpu.memory_space<vmem>>, vector<1x16xf32>,
      %swap3A_388 = vector.shape_cast %swap3A_387 : vector<1x16xf32> to vector<16xf32>
      %swap3A_389 = vector.shape_cast %get3A_43 : vector<16xf32> to vector<1x16xf32>
      tpu.vector_store %arg6[%swap3A_385, %swap3A_386], %swap3A_389 {add = true, strides = array<i32>} : memref<64x768xf32, #tpu.memory_space<vmem>>, vector<1x16xf32>,
      %swap3A_390 = arith.index_cast %scan3A_364 : i32 to index
      %swap3A_391 = arith.constant 80 : index
      %swap3A_392 = tpu.vector_load %arg6[%swap3A_390, %swap3A_391] {strides = array<i32>} : memref<64x768xf32, #tpu.memory_space<vmem>>, vector<1x16xf32>,
      %swap3A_393 = vector.shape_cast %swap3A_392 : vector<1x16xf32> to vector<16xf32>
      %swap3A_394 = vector.shape_cast %get3A_46 : vector<16xf32> to vector<1x16xf32>
      tpu.vector_store %arg6[%swap3A_390, %swap3A_391], %swap3A_394 {add = true, strides = array<i32>} : memref<64x768xf32, #tpu.memory_space<vmem>>, vector<1x16xf32>,
      %swap3A_395 = arith.index_cast %scan3A_364 : i32 to index
      %swap3A_396 = arith.constant 96 : index
      %swap3A_397 = tpu.vector_load %arg6[%swap3A_395, %swap3A_396] {strides = array<i32>} : memref<64x768xf32, #tpu.memory_space<vmem>>, vector<1x16xf32>,
      %swap3A_398 = vector.shape_cast %swap3A_397 : vector<1x16xf32> to vector<16xf32>
      %swap3A_399 = vector.shape_cast %get3A_49 : vector<16xf32> to vector<1x16xf32>
      tpu.vector_store %arg6[%swap3A_395, %swap3A_396], %swap3A_399 {add = true, strides = array<i32>} : memref<64x768xf32, #tpu.memory_space<vmem>>, vector<1x16xf32>,
      %swap3A_400 = arith.index_cast %scan3A_364 : i32 to index
      %swap3A_401 = arith.constant 112 : index
      %swap3A_402 = tpu.vector_load %arg6[%swap3A_400, %swap3A_401] {strides = array<i32>} : memref<64x768xf32, #tpu.memory_space<vmem>>, vector<1x16xf32>,
      %swap3A_403 = vector.shape_cast %swap3A_402 : vector<1x16xf32> to vector<16xf32>
      %swap3A_404 = vector.shape_cast %get3A_52 : vector<16xf32> to vector<1x16xf32>
      tpu.vector_store %arg6[%swap3A_400, %swap3A_401], %swap3A_404 {add = true, strides = array<i32>} : memref<64x768xf32, #tpu.memory_space<vmem>>, vector<1x16xf32>,
      %swap3A_405 = arith.index_cast %scan3A_364 : i32 to index
      %swap3A_406 = arith.constant 128 : index
      %swap3A_407 = tpu.vector_load %arg6[%swap3A_405, %swap3A_406] {strides = array<i32>} : memref<64x768xf32, #tpu.memory_space<vmem>>, vector<1x16xf32>,
      %swap3A_408 = vector.shape_cast %swap3A_407 : vector<1x16xf32> to vector<16xf32>
      %swap3A_409 = vector.shape_cast %get3A_55 : vector<16xf32> to vector<1x16xf32>
      tpu.vector_store %arg6[%swap3A_405, %swap3A_406], %swap3A_409 {add = true, strides = array<i32>} : memref<64x768xf32, #tpu.memory_space<vmem>>, vector<1x16xf32>,
      %swap3A_410 = arith.index_cast %scan3A_364 : i32 to index
      %swap3A_411 = arith.constant 144 : index
      %swap3A_412 = tpu.vector_load %arg6[%swap3A_410, %swap3A_411] {strides = array<i32>} : memref<64x768xf32, #tpu.memory_space<vmem>>, vector<1x16xf32>,
      %swap3A_413 = vector.shape_cast %swap3A_412 : vector<1x16xf32> to vector<16xf32>
      %swap3A_414 = vector.shape_cast %get3A_58 : vector<16xf32> to vector<1x16xf32>
      tpu.vector_store %arg6[%swap3A_410, %swap3A_411], %swap3A_414 {add = true, strides = array<i32>} : memref<64x768xf32, #tpu.memory_space<vmem>>, vector<1x16xf32>,
      %swap3A_415 = arith.index_cast %scan3A_364 : i32 to index
      %swap3A_416 = arith.constant 160 : index
      %swap3A_417 = tpu.vector_load %arg6[%swap3A_415, %swap3A_416] {strides = array<i32>} : memref<64x768xf32, #tpu.memory_space<vmem>>, vector<1x16xf32>,
      %swap3A_418 = vector.shape_cast %swap3A_417 : vector<1x16xf32> to vector<16xf32>
      %swap3A_419 = vector.shape_cast %get3A_61 : vector<16xf32> to vector<1x16xf32>
      tpu.vector_store %arg6[%swap3A_415, %swap3A_416], %swap3A_419 {add = true, strides = array<i32>} : memref<64x768xf32, #tpu.memory_space<vmem>>, vector<1x16xf32>,
      %swap3A_420 = arith.index_cast %scan3A_364 : i32 to index
      %swap3A_421 = arith.constant 176 : index
      %swap3A_422 = tpu.vector_load %arg6[%swap3A_420, %swap3A_421] {strides = array<i32>} : memref<64x768xf32, #tpu.memory_space<vmem>>, vector<1x16xf32>,
      %swap3A_423 = vector.shape_cast %swap3A_422 : vector<1x16xf32> to vector<16xf32>
      %swap3A_424 = vector.shape_cast %get3A_64 : vector<16xf32> to vector<1x16xf32>
      tpu.vector_store %arg6[%swap3A_420, %swap3A_421], %swap3A_424 {add = true, strides = array<i32>} : memref<64x768xf32, #tpu.memory_space<vmem>>, vector<1x16xf32>,
      %swap3A_425 = arith.index_cast %scan3A_364 : i32 to index
      %swap3A_426 = arith.constant 192 : index
      %swap3A_427 = tpu.vector_load %arg6[%swap3A_425, %swap3A_426] {strides = array<i32>} : memref<64x768xf32, #tpu.memory_space<vmem>>, vector<1x16xf32>,
      %swap3A_428 = vector.shape_cast %swap3A_427 : vector<1x16xf32> to vector<16xf32>
      %swap3A_429 = vector.shape_cast %get3A_67 : vector<16xf32> to vector<1x16xf32>
      tpu.vector_store %arg6[%swap3A_425, %swap3A_426], %swap3A_429 {add = true, strides = array<i32>} : memref<64x768xf32, #tpu.memory_space<vmem>>, vector<1x16xf32>,
      %swap3A_430 = arith.index_cast %scan3A_364 : i32 to index
      %swap3A_431 = arith.constant 208 : index
      %swap3A_432 = tpu.vector_load %arg6[%swap3A_430, %swap3A_431] {strides = array<i32>} : memref<64x768xf32, #tpu.memory_space<vmem>>, vector<1x16xf32>,
      %swap3A_433 = vector.shape_cast %swap3A_432 : vector<1x16xf32> to vector<16xf32>
      %swap3A_434 = vector.shape_cast %get3A_70 : vector<16xf32> to vector<1x16xf32>
      tpu.vector_store %arg6[%swap3A_430, %swap3A_431], %swap3A_434 {add = true, strides = array<i32>} : memref<64x768xf32, #tpu.memory_space<vmem>>, vector<1x16xf32>,
      %swap3A_435 = arith.index_cast %scan3A_364 : i32 to index
      %swap3A_436 = arith.constant 224 : index
      %swap3A_437 = tpu.vector_load %arg6[%swap3A_435, %swap3A_436] {strides = array<i32>} : memref<64x768xf32, #tpu.memory_space<vmem>>, vector<1x16xf32>,
      %swap3A_438 = vector.shape_cast %swap3A_437 : vector<1x16xf32> to vector<16xf32>
      %swap3A_439 = vector.shape_cast %get3A_73 : vector<16xf32> to vector<1x16xf32>
      tpu.vector_store %arg6[%swap3A_435, %swap3A_436], %swap3A_439 {add = true, strides = array<i32>} : memref<64x768xf32, #tpu.memory_space<vmem>>, vector<1x16xf32>,
      %swap3A_440 = arith.index_cast %scan3A_364 : i32 to index
      %swap3A_441 = arith.constant 240 : index
      %swap3A_442 = tpu.vector_load %arg6[%swap3A_440, %swap3A_441] {strides = array<i32>} : memref<64x768xf32, #tpu.memory_space<vmem>>, vector<1x16xf32>,
      %swap3A_443 = vector.shape_cast %swap3A_442 : vector<1x16xf32> to vector<16xf32>
      %swap3A_444 = vector.shape_cast %get3A_76 : vector<16xf32> to vector<1x16xf32>
      tpu.vector_store %arg6[%swap3A_440, %swap3A_441], %swap3A_444 {add = true, strides = array<i32>} : memref<64x768xf32, #tpu.memory_space<vmem>>, vector<1x16xf32>,
      %swap3A_445 = arith.index_cast %scan3A_364 : i32 to index
      %swap3A_446 = arith.constant 256 : index
      %swap3A_447 = tpu.vector_load %arg6[%swap3A_445, %swap3A_446] {strides = array<i32>} : memref<64x768xf32, #tpu.memory_space<vmem>>, vector<1x16xf32>,
      %swap3A_448 = vector.shape_cast %swap3A_447 : vector<1x16xf32> to vector<16xf32>
      %swap3A_449 = vector.shape_cast %get3A_79 : vector<16xf32> to vector<1x16xf32>
      tpu.vector_store %arg6[%swap3A_445, %swap3A_446], %swap3A_449 {add = true, strides = array<i32>} : memref<64x768xf32, #tpu.memory_space<vmem>>, vector<1x16xf32>,
      %swap3A_450 = arith.index_cast %scan3A_364 : i32 to index
      %swap3A_451 = arith.constant 272 : index
      %swap3A_452 = tpu.vector_load %arg6[%swap3A_450, %swap3A_451] {strides = array<i32>} : memref<64x768xf32, #tpu.memory_space<vmem>>, vector<1x16xf32>,
      %swap3A_453 = vector.shape_cast %swap3A_452 : vector<1x16xf32> to vector<16xf32>
      %swap3A_454 = vector.shape_cast %get3A_82 : vector<16xf32> to vector<1x16xf32>
      tpu.vector_store %arg6[%swap3A_450, %swap3A_451], %swap3A_454 {add = true, strides = array<i32>} : memref<64x768xf32, #tpu.memory_space<vmem>>, vector<1x16xf32>,
      %swap3A_455 = arith.index_cast %scan3A_364 : i32 to index
      %swap3A_456 = arith.constant 288 : index
      %swap3A_457 = tpu.vector_load %arg6[%swap3A_455, %swap3A_456] {strides = array<i32>} : memref<64x768xf32, #tpu.memory_space<vmem>>, vector<1x16xf32>,
      %swap3A_458 = vector.shape_cast %swap3A_457 : vector<1x16xf32> to vector<16xf32>
      %swap3A_459 = vector.shape_cast %get3A_85 : vector<16xf32> to vector<1x16xf32>
      tpu.vector_store %arg6[%swap3A_455, %swap3A_456], %swap3A_459 {add = true, strides = array<i32>} : memref<64x768xf32, #tpu.memory_space<vmem>>, vector<1x16xf32>,
      %swap3A_460 = arith.index_cast %scan3A_364 : i32 to index
      %swap3A_461 = arith.constant 304 : index
      %swap3A_462 = tpu.vector_load %arg6[%swap3A_460, %swap3A_461] {strides = array<i32>} : memref<64x768xf32, #tpu.memory_space<vmem>>, vector<1x16xf32>,
      %swap3A_463 = vector.shape_cast %swap3A_462 : vector<1x16xf32> to vector<16xf32>
      %swap3A_464 = vector.shape_cast %get3A_88 : vector<16xf32> to vector<1x16xf32>
      tpu.vector_store %arg6[%swap3A_460, %swap3A_461], %swap3A_464 {add = true, strides = array<i32>} : memref<64x768xf32, #tpu.memory_space<vmem>>, vector<1x16xf32>,
      %swap3A_465 = arith.index_cast %scan3A_364 : i32 to index
      %swap3A_466 = arith.constant 320 : index
      %swap3A_467 = tpu.vector_load %arg6[%swap3A_465, %swap3A_466] {strides = array<i32>} : memref<64x768xf32, #tpu.memory_space<vmem>>, vector<1x16xf32>,
      %swap3A_468 = vector.shape_cast %swap3A_467 : vector<1x16xf32> to vector<16xf32>
      %swap3A_469 = vector.shape_cast %get3A_91 : vector<16xf32> to vector<1x16xf32>
      tpu.vector_store %arg6[%swap3A_465, %swap3A_466], %swap3A_469 {add = true, strides = array<i32>} : memref<64x768xf32, #tpu.memory_space<vmem>>, vector<1x16xf32>,
      %swap3A_470 = arith.index_cast %scan3A_364 : i32 to index
      %swap3A_471 = arith.constant 336 : index
      %swap3A_472 = tpu.vector_load %arg6[%swap3A_470, %swap3A_471] {strides = array<i32>} : memref<64x768xf32, #tpu.memory_space<vmem>>, vector<1x16xf32>,
      %swap3A_473 = vector.shape_cast %swap3A_472 : vector<1x16xf32> to vector<16xf32>
      %swap3A_474 = vector.shape_cast %get3A_94 : vector<16xf32> to vector<1x16xf32>
      tpu.vector_store %arg6[%swap3A_470, %swap3A_471], %swap3A_474 {add = true, strides = array<i32>} : memref<64x768xf32, #tpu.memory_space<vmem>>, vector<1x16xf32>,
      %swap3A_475 = arith.index_cast %scan3A_364 : i32 to index
      %swap3A_476 = arith.constant 352 : index
      %swap3A_477 = tpu.vector_load %arg6[%swap3A_475, %swap3A_476] {strides = array<i32>} : memref<64x768xf32, #tpu.memory_space<vmem>>, vector<1x16xf32>,
      %swap3A_478 = vector.shape_cast %swap3A_477 : vector<1x16xf32> to vector<16xf32>
      %swap3A_479 = vector.shape_cast %get3A_97 : vector<16xf32> to vector<1x16xf32>
      tpu.vector_store %arg6[%swap3A_475, %swap3A_476], %swap3A_479 {add = true, strides = array<i32>} : memref<64x768xf32, #tpu.memory_space<vmem>>, vector<1x16xf32>,
      %swap3A_480 = arith.index_cast %scan3A_364 : i32 to index
      %swap3A_481 = arith.constant 368 : index
      %swap3A_482 = tpu.vector_load %arg6[%swap3A_480, %swap3A_481] {strides = array<i32>} : memref<64x768xf32, #tpu.memory_space<vmem>>, vector<1x16xf32>,
      %swap3A_483 = vector.shape_cast %swap3A_482 : vector<1x16xf32> to vector<16xf32>
      %swap3A_484 = vector.shape_cast %get3A_100 : vector<16xf32> to vector<1x16xf32>
      tpu.vector_store %arg6[%swap3A_480, %swap3A_481], %swap3A_484 {add = true, strides = array<i32>} : memref<64x768xf32, #tpu.memory_space<vmem>>, vector<1x16xf32>,
      %swap3A_485 = arith.index_cast %scan3A_364 : i32 to index
      %swap3A_486 = arith.constant 384 : index
      %swap3A_487 = tpu.vector_load %arg6[%swap3A_485, %swap3A_486] {strides = array<i32>} : memref<64x768xf32, #tpu.memory_space<vmem>>, vector<1x16xf32>,
      %swap3A_488 = vector.shape_cast %swap3A_487 : vector<1x16xf32> to vector<16xf32>
      %swap3A_489 = vector.shape_cast %get3A_103 : vector<16xf32> to vector<1x16xf32>
      tpu.vector_store %arg6[%swap3A_485, %swap3A_486], %swap3A_489 {add = true, strides = array<i32>} : memref<64x768xf32, #tpu.memory_space<vmem>>, vector<1x16xf32>,
      %swap3A_490 = arith.index_cast %scan3A_364 : i32 to index
      %swap3A_491 = arith.constant 400 : index
      %swap3A_492 = tpu.vector_load %arg6[%swap3A_490, %swap3A_491] {strides = array<i32>} : memref<64x768xf32, #tpu.memory_space<vmem>>, vector<1x16xf32>,
      %swap3A_493 = vector.shape_cast %swap3A_492 : vector<1x16xf32> to vector<16xf32>
      %swap3A_494 = vector.shape_cast %get3A_106 : vector<16xf32> to vector<1x16xf32>
      tpu.vector_store %arg6[%swap3A_490, %swap3A_491], %swap3A_494 {add = true, strides = array<i32>} : memref<64x768xf32, #tpu.memory_space<vmem>>, vector<1x16xf32>,
      %swap3A_495 = arith.index_cast %scan3A_364 : i32 to index
      %swap3A_496 = arith.constant 416 : index
      %swap3A_497 = tpu.vector_load %arg6[%swap3A_495, %swap3A_496] {strides = array<i32>} : memref<64x768xf32, #tpu.memory_space<vmem>>, vector<1x16xf32>,
      %swap3A_498 = vector.shape_cast %swap3A_497 : vector<1x16xf32> to vector<16xf32>
      %swap3A_499 = vector.shape_cast %get3A_109 : vector<16xf32> to vector<1x16xf32>
      tpu.vector_store %arg6[%swap3A_495, %swap3A_496], %swap3A_499 {add = true, strides = array<i32>} : memref<64x768xf32, #tpu.memory_space<vmem>>, vector<1x16xf32>,
      %swap3A_500 = arith.index_cast %scan3A_364 : i32 to index
      %swap3A_501 = arith.constant 432 : index
      %swap3A_502 = tpu.vector_load %arg6[%swap3A_500, %swap3A_501] {strides = array<i32>} : memref<64x768xf32, #tpu.memory_space<vmem>>, vector<1x16xf32>,
      %swap3A_503 = vector.shape_cast %swap3A_502 : vector<1x16xf32> to vector<16xf32>
      %swap3A_504 = vector.shape_cast %get3A_112 : vector<16xf32> to vector<1x16xf32>
      tpu.vector_store %arg6[%swap3A_500, %swap3A_501], %swap3A_504 {add = true, strides = array<i32>} : memref<64x768xf32, #tpu.memory_space<vmem>>, vector<1x16xf32>,
      %swap3A_505 = arith.index_cast %scan3A_364 : i32 to index
      %swap3A_506 = arith.constant 448 : index
      %swap3A_507 = tpu.vector_load %arg6[%swap3A_505, %swap3A_506] {strides = array<i32>} : memref<64x768xf32, #tpu.memory_space<vmem>>, vector<1x16xf32>,
      %swap3A_508 = vector.shape_cast %swap3A_507 : vector<1x16xf32> to vector<16xf32>
      %swap3A_509 = vector.shape_cast %get3A_115 : vector<16xf32> to vector<1x16xf32>
      tpu.vector_store %arg6[%swap3A_505, %swap3A_506], %swap3A_509 {add = true, strides = array<i32>} : memref<64x768xf32, #tpu.memory_space<vmem>>, vector<1x16xf32>,
      %swap3A_510 = arith.index_cast %scan3A_364 : i32 to index
      %swap3A_511 = arith.constant 464 : index
      %swap3A_512 = tpu.vector_load %arg6[%swap3A_510, %swap3A_511] {strides = array<i32>} : memref<64x768xf32, #tpu.memory_space<vmem>>, vector<1x16xf32>,
      %swap3A_513 = vector.shape_cast %swap3A_512 : vector<1x16xf32> to vector<16xf32>
      %swap3A_514 = vector.shape_cast %get3A_118 : vector<16xf32> to vector<1x16xf32>
      tpu.vector_store %arg6[%swap3A_510, %swap3A_511], %swap3A_514 {add = true, strides = array<i32>} : memref<64x768xf32, #tpu.memory_space<vmem>>, vector<1x16xf32>,
      %swap3A_515 = arith.index_cast %scan3A_364 : i32 to index
      %swap3A_516 = arith.constant 480 : index
      %swap3A_517 = tpu.vector_load %arg6[%swap3A_515, %swap3A_516] {strides = array<i32>} : memref<64x768xf32, #tpu.memory_space<vmem>>, vector<1x16xf32>,
      %swap3A_518 = vector.shape_cast %swap3A_517 : vector<1x16xf32> to vector<16xf32>
      %swap3A_519 = vector.shape_cast %get3A_121 : vector<16xf32> to vector<1x16xf32>
      tpu.vector_store %arg6[%swap3A_515, %swap3A_516], %swap3A_519 {add = true, strides = array<i32>} : memref<64x768xf32, #tpu.memory_space<vmem>>, vector<1x16xf32>,
      %swap3A_520 = arith.index_cast %scan3A_364 : i32 to index
      %swap3A_521 = arith.constant 496 : index
      %swap3A_522 = tpu.vector_load %arg6[%swap3A_520, %swap3A_521] {strides = array<i32>} : memref<64x768xf32, #tpu.memory_space<vmem>>, vector<1x16xf32>,
      %swap3A_523 = vector.shape_cast %swap3A_522 : vector<1x16xf32> to vector<16xf32>
      %swap3A_524 = vector.shape_cast %get3A_124 : vector<16xf32> to vector<1x16xf32>
      tpu.vector_store %arg6[%swap3A_520, %swap3A_521], %swap3A_524 {add = true, strides = array<i32>} : memref<64x768xf32, #tpu.memory_space<vmem>>, vector<1x16xf32>,
      %swap3A_525 = arith.index_cast %scan3A_364 : i32 to index
      %swap3A_526 = arith.constant 512 : index
      %swap3A_527 = tpu.vector_load %arg6[%swap3A_525, %swap3A_526] {strides = array<i32>} : memref<64x768xf32, #tpu.memory_space<vmem>>, vector<1x16xf32>,
      %swap3A_528 = vector.shape_cast %swap3A_527 : vector<1x16xf32> to vector<16xf32>
      %swap3A_529 = vector.shape_cast %get3A_127 : vector<16xf32> to vector<1x16xf32>
      tpu.vector_store %arg6[%swap3A_525, %swap3A_526], %swap3A_529 {add = true, strides = array<i32>} : memref<64x768xf32, #tpu.memory_space<vmem>>, vector<1x16xf32>,
      %swap3A_530 = arith.index_cast %scan3A_364 : i32 to index
      %swap3A_531 = arith.constant 528 : index
      %swap3A_532 = tpu.vector_load %arg6[%swap3A_530, %swap3A_531] {strides = array<i32>} : memref<64x768xf32, #tpu.memory_space<vmem>>, vector<1x16xf32>,
      %swap3A_533 = vector.shape_cast %swap3A_532 : vector<1x16xf32> to vector<16xf32>
      %swap3A_534 = vector.shape_cast %get3A_130 : vector<16xf32> to vector<1x16xf32>
      tpu.vector_store %arg6[%swap3A_530, %swap3A_531], %swap3A_534 {add = true, strides = array<i32>} : memref<64x768xf32, #tpu.memory_space<vmem>>, vector<1x16xf32>,
      %swap3A_535 = arith.index_cast %scan3A_364 : i32 to index
      %swap3A_536 = arith.constant 544 : index
      %swap3A_537 = tpu.vector_load %arg6[%swap3A_535, %swap3A_536] {strides = array<i32>} : memref<64x768xf32, #tpu.memory_space<vmem>>, vector<1x16xf32>,
      %swap3A_538 = vector.shape_cast %swap3A_537 : vector<1x16xf32> to vector<16xf32>
      %swap3A_539 = vector.shape_cast %get3A_133 : vector<16xf32> to vector<1x16xf32>
      tpu.vector_store %arg6[%swap3A_535, %swap3A_536], %swap3A_539 {add = true, strides = array<i32>} : memref<64x768xf32, #tpu.memory_space<vmem>>, vector<1x16xf32>,
      %swap3A_540 = arith.index_cast %scan3A_364 : i32 to index
      %swap3A_541 = arith.constant 560 : index
      %swap3A_542 = tpu.vector_load %arg6[%swap3A_540, %swap3A_541] {strides = array<i32>} : memref<64x768xf32, #tpu.memory_space<vmem>>, vector<1x16xf32>,
      %swap3A_543 = vector.shape_cast %swap3A_542 : vector<1x16xf32> to vector<16xf32>
      %swap3A_544 = vector.shape_cast %get3A_136 : vector<16xf32> to vector<1x16xf32>
      tpu.vector_store %arg6[%swap3A_540, %swap3A_541], %swap3A_544 {add = true, strides = array<i32>} : memref<64x768xf32, #tpu.memory_space<vmem>>, vector<1x16xf32>,
      %swap3A_545 = arith.index_cast %scan3A_364 : i32 to index
      %swap3A_546 = arith.constant 576 : index
      %swap3A_547 = tpu.vector_load %arg6[%swap3A_545, %swap3A_546] {strides = array<i32>} : memref<64x768xf32, #tpu.memory_space<vmem>>, vector<1x16xf32>,
      %swap3A_548 = vector.shape_cast %swap3A_547 : vector<1x16xf32> to vector<16xf32>
      %swap3A_549 = vector.shape_cast %get3A_139 : vector<16xf32> to vector<1x16xf32>
      tpu.vector_store %arg6[%swap3A_545, %swap3A_546], %swap3A_549 {add = true, strides = array<i32>} : memref<64x768xf32, #tpu.memory_space<vmem>>, vector<1x16xf32>,
      %swap3A_550 = arith.index_cast %scan3A_364 : i32 to index
      %swap3A_551 = arith.constant 592 : index
      %swap3A_552 = tpu.vector_load %arg6[%swap3A_550, %swap3A_551] {strides = array<i32>} : memref<64x768xf32, #tpu.memory_space<vmem>>, vector<1x16xf32>,
      %swap3A_553 = vector.shape_cast %swap3A_552 : vector<1x16xf32> to vector<16xf32>
      %swap3A_554 = vector.shape_cast %get3A_142 : vector<16xf32> to vector<1x16xf32>
      tpu.vector_store %arg6[%swap3A_550, %swap3A_551], %swap3A_554 {add = true, strides = array<i32>} : memref<64x768xf32, #tpu.memory_space<vmem>>, vector<1x16xf32>,
      %swap3A_555 = arith.index_cast %scan3A_364 : i32 to index
      %swap3A_556 = arith.constant 608 : index
      %swap3A_557 = tpu.vector_load %arg6[%swap3A_555, %swap3A_556] {strides = array<i32>} : memref<64x768xf32, #tpu.memory_space<vmem>>, vector<1x16xf32>,
      %swap3A_558 = vector.shape_cast %swap3A_557 : vector<1x16xf32> to vector<16xf32>
      %swap3A_559 = vector.shape_cast %get3A_145 : vector<16xf32> to vector<1x16xf32>
      tpu.vector_store %arg6[%swap3A_555, %swap3A_556], %swap3A_559 {add = true, strides = array<i32>} : memref<64x768xf32, #tpu.memory_space<vmem>>, vector<1x16xf32>,
      %swap3A_560 = arith.index_cast %scan3A_364 : i32 to index
      %swap3A_561 = arith.constant 624 : index
      %swap3A_562 = tpu.vector_load %arg6[%swap3A_560, %swap3A_561] {strides = array<i32>} : memref<64x768xf32, #tpu.memory_space<vmem>>, vector<1x16xf32>,
      %swap3A_563 = vector.shape_cast %swap3A_562 : vector<1x16xf32> to vector<16xf32>
      %swap3A_564 = vector.shape_cast %get3A_148 : vector<16xf32> to vector<1x16xf32>
      tpu.vector_store %arg6[%swap3A_560, %swap3A_561], %swap3A_564 {add = true, strides = array<i32>} : memref<64x768xf32, #tpu.memory_space<vmem>>, vector<1x16xf32>,
      %swap3A_565 = arith.index_cast %scan3A_364 : i32 to index
      %swap3A_566 = arith.constant 640 : index
      %swap3A_567 = tpu.vector_load %arg6[%swap3A_565, %swap3A_566] {strides = array<i32>} : memref<64x768xf32, #tpu.memory_space<vmem>>, vector<1x16xf32>,
      %swap3A_568 = vector.shape_cast %swap3A_567 : vector<1x16xf32> to vector<16xf32>
      %swap3A_569 = vector.shape_cast %get3A_151 : vector<16xf32> to vector<1x16xf32>
      tpu.vector_store %arg6[%swap3A_565, %swap3A_566], %swap3A_569 {add = true, strides = array<i32>} : memref<64x768xf32, #tpu.memory_space<vmem>>, vector<1x16xf32>,
      %swap3A_570 = arith.index_cast %scan3A_364 : i32 to index
      %swap3A_571 = arith.constant 656 : index
      %swap3A_572 = tpu.vector_load %arg6[%swap3A_570, %swap3A_571] {strides = array<i32>} : memref<64x768xf32, #tpu.memory_space<vmem>>, vector<1x16xf32>,
      %swap3A_573 = vector.shape_cast %swap3A_572 : vector<1x16xf32> to vector<16xf32>
      %swap3A_574 = vector.shape_cast %get3A_154 : vector<16xf32> to vector<1x16xf32>
      tpu.vector_store %arg6[%swap3A_570, %swap3A_571], %swap3A_574 {add = true, strides = array<i32>} : memref<64x768xf32, #tpu.memory_space<vmem>>, vector<1x16xf32>,
      %swap3A_575 = arith.index_cast %scan3A_364 : i32 to index
      %swap3A_576 = arith.constant 672 : index
      %swap3A_577 = tpu.vector_load %arg6[%swap3A_575, %swap3A_576] {strides = array<i32>} : memref<64x768xf32, #tpu.memory_space<vmem>>, vector<1x16xf32>,
      %swap3A_578 = vector.shape_cast %swap3A_577 : vector<1x16xf32> to vector<16xf32>
      %swap3A_579 = vector.shape_cast %get3A_157 : vector<16xf32> to vector<1x16xf32>
      tpu.vector_store %arg6[%swap3A_575, %swap3A_576], %swap3A_579 {add = true, strides = array<i32>} : memref<64x768xf32, #tpu.memory_space<vmem>>, vector<1x16xf32>,
      %swap3A_580 = arith.index_cast %scan3A_364 : i32 to index
      %swap3A_581 = arith.constant 688 : index
      %swap3A_582 = tpu.vector_load %arg6[%swap3A_580, %swap3A_581] {strides = array<i32>} : memref<64x768xf32, #tpu.memory_space<vmem>>, vector<1x16xf32>,
      %swap3A_583 = vector.shape_cast %swap3A_582 : vector<1x16xf32> to vector<16xf32>
      %swap3A_584 = vector.shape_cast %get3A_160 : vector<16xf32> to vector<1x16xf32>
      tpu.vector_store %arg6[%swap3A_580, %swap3A_581], %swap3A_584 {add = true, strides = array<i32>} : memref<64x768xf32, #tpu.memory_space<vmem>>, vector<1x16xf32>,
      %swap3A_585 = arith.index_cast %scan3A_364 : i32 to index
      %swap3A_586 = arith.constant 704 : index
      %swap3A_587 = tpu.vector_load %arg6[%swap3A_585, %swap3A_586] {strides = array<i32>} : memref<64x768xf32, #tpu.memory_space<vmem>>, vector<1x16xf32>,
      %swap3A_588 = vector.shape_cast %swap3A_587 : vector<1x16xf32> to vector<16xf32>
      %swap3A_589 = vector.shape_cast %get3A_163 : vector<16xf32> to vector<1x16xf32>
      tpu.vector_store %arg6[%swap3A_585, %swap3A_586], %swap3A_589 {add = true, strides = array<i32>} : memref<64x768xf32, #tpu.memory_space<vmem>>, vector<1x16xf32>,
      %swap3A_590 = arith.index_cast %scan3A_364 : i32 to index
      %swap3A_591 = arith.constant 720 : index
      %swap3A_592 = tpu.vector_load %arg6[%swap3A_590, %swap3A_591] {strides = array<i32>} : memref<64x768xf32, #tpu.memory_space<vmem>>, vector<1x16xf32>,
      %swap3A_593 = vector.shape_cast %swap3A_592 : vector<1x16xf32> to vector<16xf32>
      %swap3A_594 = vector.shape_cast %get3A_166 : vector<16xf32> to vector<1x16xf32>
      tpu.vector_store %arg6[%swap3A_590, %swap3A_591], %swap3A_594 {add = true, strides = array<i32>} : memref<64x768xf32, #tpu.memory_space<vmem>>, vector<1x16xf32>,
      %swap3A_595 = arith.index_cast %scan3A_364 : i32 to index
      %swap3A_596 = arith.constant 736 : index
      %swap3A_597 = tpu.vector_load %arg6[%swap3A_595, %swap3A_596] {strides = array<i32>} : memref<64x768xf32, #tpu.memory_space<vmem>>, vector<1x16xf32>,
      %swap3A_598 = vector.shape_cast %swap3A_597 : vector<1x16xf32> to vector<16xf32>
      %swap3A_599 = vector.shape_cast %get3A_169 : vector<16xf32> to vector<1x16xf32>
      tpu.vector_store %arg6[%swap3A_595, %swap3A_596], %swap3A_599 {add = true, strides = array<i32>} : memref<64x768xf32, #tpu.memory_space<vmem>>, vector<1x16xf32>,
      %swap3A_600 = arith.index_cast %scan3A_364 : i32 to index
      %swap3A_601 = arith.constant 752 : index
      %swap3A_602 = tpu.vector_load %arg6[%swap3A_600, %swap3A_601] {strides = array<i32>} : memref<64x768xf32, #tpu.memory_space<vmem>>, vector<1x16xf32>,
      %swap3A_603 = vector.shape_cast %swap3A_602 : vector<1x16xf32> to vector<16xf32>
      %swap3A_604 = vector.shape_cast %get3A_172 : vector<16xf32> to vector<1x16xf32>
      tpu.vector_store %arg6[%swap3A_600, %swap3A_601], %swap3A_604 {add = true, strides = array<i32>} : memref<64x768xf32, #tpu.memory_space<vmem>>, vector<1x16xf32>,
      %scan3A_605 = arith.constant 0 : i32
      scf.yield %scan3A_605 : i32
    }
    %scan3A_178 = arith.constant 32 : i32
    %mul3A_179 = arith.constant 64 : i32
    %mul3A_180 = arith.muli %arg1, %mul3A_179 : i32
    %add3A_181 = arith.constant 0 : i32
    %add3A_182 = arith.addi %mul3A_180, %add3A_181 : i32
    %dma_start3A_183 = arith.constant 0 : i32
    %dma_start3A_184 = arith.constant 0 : i32
    %dma_start3A_185 = tpu.memref_slice %arg6[%dma_start3A_183, %dma_start3A_184] : memref<64x768xf32, #tpu.memory_space<vmem>> -> memref<32x768xf32, #tpu.memory_space<vmem>>
    %dma_start3A_186 = arith.constant 0 : i32
    %dma_start3A_187 = tpu.memref_slice %arg4[%add3A_182, %dma_start3A_186] : memref<1024x768xf32, #tpu.memory_space<hbm>> -> memref<32x768xf32, #tpu.memory_space<hbm>>
    %dma_start3A_188 = arith.constant 0 : i32
    %dma_start3A_189 = tpu.memref_slice %arg4[%add3A_182, %dma_start3A_188] : memref<1024x768xf32, #tpu.memory_space<hbm>> -> memref<32x768xf32, #tpu.memory_space<hbm>>
    %dma_start3A_190 = arith.constant 0 : i32
    %dma_start3A_191 = arith.constant 0 : i32
    %dma_start3A_192 = tpu.memref_slice %arg6[%dma_start3A_190, %dma_start3A_191] : memref<64x768xf32, #tpu.memory_space<vmem>> -> memref<32x768xf32, #tpu.memory_space<vmem>>
    tpu.enqueue_dma source(%dma_start3A_192 : memref<32x768xf32, #tpu.memory_space<vmem>>) target(%dma_start3A_189 : memref<32x768xf32, #tpu.memory_space<hbm>>) target_semaphore(%arg9 : memref<!tpu.dma_semaphore, #tpu.memory_space<semaphore_mem>>)
    %get3A_193 = arith.constant 768 : index
    %get3A_194 = tpu.vector_load %arg5[%get3A_193] {strides = array<i32>} : memref<1536xf32, #tpu.memory_space<vmem>>, vector<16xf32>,
    %get3A_195 = vector.shape_cast %get3A_194 : vector<16xf32> to vector<16xf32>
    %get3A_196 = arith.constant 784 : index
    %get3A_197 = tpu.vector_load %arg5[%get3A_196] {strides = array<i32>} : memref<1536xf32, #tpu.memory_space<vmem>>, vector<16xf32>,
    %get3A_198 = vector.shape_cast %get3A_197 : vector<16xf32> to vector<16xf32>
    %get3A_199 = arith.constant 800 : index
    %get3A_200 = tpu.vector_load %arg5[%get3A_199] {strides = array<i32>} : memref<1536xf32, #tpu.memory_space<vmem>>, vector<16xf32>,
    %get3A_201 = vector.shape_cast %get3A_200 : vector<16xf32> to vector<16xf32>
    %get3A_202 = arith.constant 816 : index
    %get3A_203 = tpu.vector_load %arg5[%get3A_202] {strides = array<i32>} : memref<1536xf32, #tpu.memory_space<vmem>>, vector<16xf32>,
    %get3A_204 = vector.shape_cast %get3A_203 : vector<16xf32> to vector<16xf32>
    %get3A_205 = arith.constant 832 : index
    %get3A_206 = tpu.vector_load %arg5[%get3A_205] {strides = array<i32>} : memref<1536xf32, #tpu.memory_space<vmem>>, vector<16xf32>,
    %get3A_207 = vector.shape_cast %get3A_206 : vector<16xf32> to vector<16xf32>
    %get3A_208 = arith.constant 848 : index
    %get3A_209 = tpu.vector_load %arg5[%get3A_208] {strides = array<i32>} : memref<1536xf32, #tpu.memory_space<vmem>>, vector<16xf32>,
    %get3A_210 = vector.shape_cast %get3A_209 : vector<16xf32> to vector<16xf32>
    %get3A_211 = arith.constant 864 : index
    %get3A_212 = tpu.vector_load %arg5[%get3A_211] {strides = array<i32>} : memref<1536xf32, #tpu.memory_space<vmem>>, vector<16xf32>,
    %get3A_213 = vector.shape_cast %get3A_212 : vector<16xf32> to vector<16xf32>
    %get3A_214 = arith.constant 880 : index
    %get3A_215 = tpu.vector_load %arg5[%get3A_214] {strides = array<i32>} : memref<1536xf32, #tpu.memory_space<vmem>>, vector<16xf32>,
    %get3A_216 = vector.shape_cast %get3A_215 : vector<16xf32> to vector<16xf32>
    %get3A_217 = arith.constant 896 : index
    %get3A_218 = tpu.vector_load %arg5[%get3A_217] {strides = array<i32>} : memref<1536xf32, #tpu.memory_space<vmem>>, vector<16xf32>,
    %get3A_219 = vector.shape_cast %get3A_218 : vector<16xf32> to vector<16xf32>
    %get3A_220 = arith.constant 912 : index
    %get3A_221 = tpu.vector_load %arg5[%get3A_220] {strides = array<i32>} : memref<1536xf32, #tpu.memory_space<vmem>>, vector<16xf32>,
    %get3A_222 = vector.shape_cast %get3A_221 : vector<16xf32> to vector<16xf32>
    %get3A_223 = arith.constant 928 : index
    %get3A_224 = tpu.vector_load %arg5[%get3A_223] {strides = array<i32>} : memref<1536xf32, #tpu.memory_space<vmem>>, vector<16xf32>,
    %get3A_225 = vector.shape_cast %get3A_224 : vector<16xf32> to vector<16xf32>
    %get3A_226 = arith.constant 944 : index
    %get3A_227 = tpu.vector_load %arg5[%get3A_226] {strides = array<i32>} : memref<1536xf32, #tpu.memory_space<vmem>>, vector<16xf32>,
    %get3A_228 = vector.shape_cast %get3A_227 : vector<16xf32> to vector<16xf32>
    %get3A_229 = arith.constant 960 : index
    %get3A_230 = tpu.vector_load %arg5[%get3A_229] {strides = array<i32>} : memref<1536xf32, #tpu.memory_space<vmem>>, vector<16xf32>,
    %get3A_231 = vector.shape_cast %get3A_230 : vector<16xf32> to vector<16xf32>
    %get3A_232 = arith.constant 976 : index
    %get3A_233 = tpu.vector_load %arg5[%get3A_232] {strides = array<i32>} : memref<1536xf32, #tpu.memory_space<vmem>>, vector<16xf32>,
    %get3A_234 = vector.shape_cast %get3A_233 : vector<16xf32> to vector<16xf32>
    %get3A_235 = arith.constant 992 : index
    %get3A_236 = tpu.vector_load %arg5[%get3A_235] {strides = array<i32>} : memref<1536xf32, #tpu.memory_space<vmem>>, vector<16xf32>,
    %get3A_237 = vector.shape_cast %get3A_236 : vector<16xf32> to vector<16xf32>
    %get3A_238 = arith.constant 1008 : index
    %get3A_239 = tpu.vector_load %arg5[%get3A_238] {strides = array<i32>} : memref<1536xf32, #tpu.memory_space<vmem>>, vector<16xf32>,
    %get3A_240 = vector.shape_cast %get3A_239 : vector<16xf32> to vector<16xf32>
    %get3A_241 = arith.constant 1024 : index
    %get3A_242 = tpu.vector_load %arg5[%get3A_241] {strides = array<i32>} : memref<1536xf32, #tpu.memory_space<vmem>>, vector<16xf32>,
    %get3A_243 = vector.shape_cast %get3A_242 : vector<16xf32> to vector<16xf32>
    %get3A_244 = arith.constant 1040 : index
    %get3A_245 = tpu.vector_load %arg5[%get3A_244] {strides = array<i32>} : memref<1536xf32, #tpu.memory_space<vmem>>, vector<16xf32>,
    %get3A_246 = vector.shape_cast %get3A_245 : vector<16xf32> to vector<16xf32>
    %get3A_247 = arith.constant 1056 : index
    %get3A_248 = tpu.vector_load %arg5[%get3A_247] {strides = array<i32>} : memref<1536xf32, #tpu.memory_space<vmem>>, vector<16xf32>,
    %get3A_249 = vector.shape_cast %get3A_248 : vector<16xf32> to vector<16xf32>
    %get3A_250 = arith.constant 1072 : index
    %get3A_251 = tpu.vector_load %arg5[%get3A_250] {strides = array<i32>} : memref<1536xf32, #tpu.memory_space<vmem>>, vector<16xf32>,
    %get3A_252 = vector.shape_cast %get3A_251 : vector<16xf32> to vector<16xf32>
    %get3A_253 = arith.constant 1088 : index
    %get3A_254 = tpu.vector_load %arg5[%get3A_253] {strides = array<i32>} : memref<1536xf32, #tpu.memory_space<vmem>>, vector<16xf32>,
    %get3A_255 = vector.shape_cast %get3A_254 : vector<16xf32> to vector<16xf32>
    %get3A_256 = arith.constant 1104 : index
    %get3A_257 = tpu.vector_load %arg5[%get3A_256] {strides = array<i32>} : memref<1536xf32, #tpu.memory_space<vmem>>, vector<16xf32>,
    %get3A_258 = vector.shape_cast %get3A_257 : vector<16xf32> to vector<16xf32>
    %get3A_259 = arith.constant 1120 : index
    %get3A_260 = tpu.vector_load %arg5[%get3A_259] {strides = array<i32>} : memref<1536xf32, #tpu.memory_space<vmem>>, vector<16xf32>,
    %get3A_261 = vector.shape_cast %get3A_260 : vector<16xf32> to vector<16xf32>
    %get3A_262 = arith.constant 1136 : index
    %get3A_263 = tpu.vector_load %arg5[%get3A_262] {strides = array<i32>} : memref<1536xf32, #tpu.memory_space<vmem>>, vector<16xf32>,
    %get3A_264 = vector.shape_cast %get3A_263 : vector<16xf32> to vector<16xf32>
    %get3A_265 = arith.constant 1152 : index
    %get3A_266 = tpu.vector_load %arg5[%get3A_265] {strides = array<i32>} : memref<1536xf32, #tpu.memory_space<vmem>>, vector<16xf32>,
    %get3A_267 = vector.shape_cast %get3A_266 : vector<16xf32> to vector<16xf32>
    %get3A_268 = arith.constant 1168 : index
    %get3A_269 = tpu.vector_load %arg5[%get3A_268] {strides = array<i32>} : memref<1536xf32, #tpu.memory_space<vmem>>, vector<16xf32>,
    %get3A_270 = vector.shape_cast %get3A_269 : vector<16xf32> to vector<16xf32>
    %get3A_271 = arith.constant 1184 : index
    %get3A_272 = tpu.vector_load %arg5[%get3A_271] {strides = array<i32>} : memref<1536xf32, #tpu.memory_space<vmem>>, vector<16xf32>,
    %get3A_273 = vector.shape_cast %get3A_272 : vector<16xf32> to vector<16xf32>
    %get3A_274 = arith.constant 1200 : index
    %get3A_275 = tpu.vector_load %arg5[%get3A_274] {strides = array<i32>} : memref<1536xf32, #tpu.memory_space<vmem>>, vector<16xf32>,
    %get3A_276 = vector.shape_cast %get3A_275 : vector<16xf32> to vector<16xf32>
    %get3A_277 = arith.constant 1216 : index
    %get3A_278 = tpu.vector_load %arg5[%get3A_277] {strides = array<i32>} : memref<1536xf32, #tpu.memory_space<vmem>>, vector<16xf32>,
    %get3A_279 = vector.shape_cast %get3A_278 : vector<16xf32> to vector<16xf32>
    %get3A_280 = arith.constant 1232 : index
    %get3A_281 = tpu.vector_load %arg5[%get3A_280] {strides = array<i32>} : memref<1536xf32, #tpu.memory_space<vmem>>, vector<16xf32>,
    %get3A_282 = vector.shape_cast %get3A_281 : vector<16xf32> to vector<16xf32>
    %get3A_283 = arith.constant 1248 : index
    %get3A_284 = tpu.vector_load %arg5[%get3A_283] {strides = array<i32>} : memref<1536xf32, #tpu.memory_space<vmem>>, vector<16xf32>,
    %get3A_285 = vector.shape_cast %get3A_284 : vector<16xf32> to vector<16xf32>
    %get3A_286 = arith.constant 1264 : index
    %get3A_287 = tpu.vector_load %arg5[%get3A_286] {strides = array<i32>} : memref<1536xf32, #tpu.memory_space<vmem>>, vector<16xf32>,
    %get3A_288 = vector.shape_cast %get3A_287 : vector<16xf32> to vector<16xf32>
    %get3A_289 = arith.constant 1280 : index
    %get3A_290 = tpu.vector_load %arg5[%get3A_289] {strides = array<i32>} : memref<1536xf32, #tpu.memory_space<vmem>>, vector<16xf32>,
    %get3A_291 = vector.shape_cast %get3A_290 : vector<16xf32> to vector<16xf32>
    %get3A_292 = arith.constant 1296 : index
    %get3A_293 = tpu.vector_load %arg5[%get3A_292] {strides = array<i32>} : memref<1536xf32, #tpu.memory_space<vmem>>, vector<16xf32>,
    %get3A_294 = vector.shape_cast %get3A_293 : vector<16xf32> to vector<16xf32>
    %get3A_295 = arith.constant 1312 : index
    %get3A_296 = tpu.vector_load %arg5[%get3A_295] {strides = array<i32>} : memref<1536xf32, #tpu.memory_space<vmem>>, vector<16xf32>,
    %get3A_297 = vector.shape_cast %get3A_296 : vector<16xf32> to vector<16xf32>
    %get3A_298 = arith.constant 1328 : index
    %get3A_299 = tpu.vector_load %arg5[%get3A_298] {strides = array<i32>} : memref<1536xf32, #tpu.memory_space<vmem>>, vector<16xf32>,
    %get3A_300 = vector.shape_cast %get3A_299 : vector<16xf32> to vector<16xf32>
    %get3A_301 = arith.constant 1344 : index
    %get3A_302 = tpu.vector_load %arg5[%get3A_301] {strides = array<i32>} : memref<1536xf32, #tpu.memory_space<vmem>>, vector<16xf32>,
    %get3A_303 = vector.shape_cast %get3A_302 : vector<16xf32> to vector<16xf32>
    %get3A_304 = arith.constant 1360 : index
    %get3A_305 = tpu.vector_load %arg5[%get3A_304] {strides = array<i32>} : memref<1536xf32, #tpu.memory_space<vmem>>, vector<16xf32>,
    %get3A_306 = vector.shape_cast %get3A_305 : vector<16xf32> to vector<16xf32>
    %get3A_307 = arith.constant 1376 : index
    %get3A_308 = tpu.vector_load %arg5[%get3A_307] {strides = array<i32>} : memref<1536xf32, #tpu.memory_space<vmem>>, vector<16xf32>,
    %get3A_309 = vector.shape_cast %get3A_308 : vector<16xf32> to vector<16xf32>
    %get3A_310 = arith.constant 1392 : index
    %get3A_311 = tpu.vector_load %arg5[%get3A_310] {strides = array<i32>} : memref<1536xf32, #tpu.memory_space<vmem>>, vector<16xf32>,
    %get3A_312 = vector.shape_cast %get3A_311 : vector<16xf32> to vector<16xf32>
    %get3A_313 = arith.constant 1408 : index
    %get3A_314 = tpu.vector_load %arg5[%get3A_313] {strides = array<i32>} : memref<1536xf32, #tpu.memory_space<vmem>>, vector<16xf32>,
    %get3A_315 = vector.shape_cast %get3A_314 : vector<16xf32> to vector<16xf32>
    %get3A_316 = arith.constant 1424 : index
    %get3A_317 = tpu.vector_load %arg5[%get3A_316] {strides = array<i32>} : memref<1536xf32, #tpu.memory_space<vmem>>, vector<16xf32>,
    %get3A_318 = vector.shape_cast %get3A_317 : vector<16xf32> to vector<16xf32>
    %get3A_319 = arith.constant 1440 : index
    %get3A_320 = tpu.vector_load %arg5[%get3A_319] {strides = array<i32>} : memref<1536xf32, #tpu.memory_space<vmem>>, vector<16xf32>,
    %get3A_321 = vector.shape_cast %get3A_320 : vector<16xf32> to vector<16xf32>
    %get3A_322 = arith.constant 1456 : index
    %get3A_323 = tpu.vector_load %arg5[%get3A_322] {strides = array<i32>} : memref<1536xf32, #tpu.memory_space<vmem>>, vector<16xf32>,
    %get3A_324 = vector.shape_cast %get3A_323 : vector<16xf32> to vector<16xf32>
    %get3A_325 = arith.constant 1472 : index
    %get3A_326 = tpu.vector_load %arg5[%get3A_325] {strides = array<i32>} : memref<1536xf32, #tpu.memory_space<vmem>>, vector<16xf32>,
    %get3A_327 = vector.shape_cast %get3A_326 : vector<16xf32> to vector<16xf32>
    %get3A_328 = arith.constant 1488 : index
    %get3A_329 = tpu.vector_load %arg5[%get3A_328] {strides = array<i32>} : memref<1536xf32, #tpu.memory_space<vmem>>, vector<16xf32>,
    %get3A_330 = vector.shape_cast %get3A_329 : vector<16xf32> to vector<16xf32>
    %get3A_331 = arith.constant 1504 : index
    %get3A_332 = tpu.vector_load %arg5[%get3A_331] {strides = array<i32>} : memref<1536xf32, #tpu.memory_space<vmem>>, vector<16xf32>,
    %get3A_333 = vector.shape_cast %get3A_332 : vector<16xf32> to vector<16xf32>
    %get3A_334 = arith.constant 1520 : index
    %get3A_335 = tpu.vector_load %arg5[%get3A_334] {strides = array<i32>} : memref<1536xf32, #tpu.memory_space<vmem>>, vector<16xf32>,
    %get3A_336 = vector.shape_cast %get3A_335 : vector<16xf32> to vector<16xf32>
    %scan3A_337 = arith.constant 0 : i32
    %scan3A_338 = arith.constant 32 : i32
    %scan3A_339 = arith.constant 32 : i32
    %scan3A_340 = arith.addi %scan3A_338, %scan3A_339 : i32
    %scan3A_341 = arith.constant 1 : i32
    %scan3A_342 = scf.for %scan3A_364 = %scan3A_338 to %scan3A_340 step %scan3A_341 iter_args(%scan3A_365 = %scan3A_337) -> (i32)  : i32 {
      %swap3A = arith.index_cast %scan3A_364 : i32 to index
      %swap3A_366 = arith.constant 0 : index
      %swap3A_367 = tpu.vector_load %arg6[%swap3A, %swap3A_366] {strides = array<i32>} : memref<64x768xf32, #tpu.memory_space<vmem>>, vector<1x16xf32>,
      %swap3A_368 = vector.shape_cast %swap3A_367 : vector<1x16xf32> to vector<16xf32>
      %swap3A_369 = vector.shape_cast %get3A_195 : vector<16xf32> to vector<1x16xf32>
      tpu.vector_store %arg6[%swap3A, %swap3A_366], %swap3A_369 {add = true, strides = array<i32>} : memref<64x768xf32, #tpu.memory_space<vmem>>, vector<1x16xf32>,
      %swap3A_370 = arith.index_cast %scan3A_364 : i32 to index
      %swap3A_371 = arith.constant 16 : index
      %swap3A_372 = tpu.vector_load %arg6[%swap3A_370, %swap3A_371] {strides = array<i32>} : memref<64x768xf32, #tpu.memory_space<vmem>>, vector<1x16xf32>,
      %swap3A_373 = vector.shape_cast %swap3A_372 : vector<1x16xf32> to vector<16xf32>
      %swap3A_374 = vector.shape_cast %get3A_198 : vector<16xf32> to vector<1x16xf32>
      tpu.vector_store %arg6[%swap3A_370, %swap3A_371], %swap3A_374 {add = true, strides = array<i32>} : memref<64x768xf32, #tpu.memory_space<vmem>>, vector<1x16xf32>,
      %swap3A_375 = arith.index_cast %scan3A_364 : i32 to index
      %swap3A_376 = arith.constant 32 : index
      %swap3A_377 = tpu.vector_load %arg6[%swap3A_375, %swap3A_376] {strides = array<i32>} : memref<64x768xf32, #tpu.memory_space<vmem>>, vector<1x16xf32>,
      %swap3A_378 = vector.shape_cast %swap3A_377 : vector<1x16xf32> to vector<16xf32>
      %swap3A_379 = vector.shape_cast %get3A_201 : vector<16xf32> to vector<1x16xf32>
      tpu.vector_store %arg6[%swap3A_375, %swap3A_376], %swap3A_379 {add = true, strides = array<i32>} : memref<64x768xf32, #tpu.memory_space<vmem>>, vector<1x16xf32>,
      %swap3A_380 = arith.index_cast %scan3A_364 : i32 to index
      %swap3A_381 = arith.constant 48 : index
      %swap3A_382 = tpu.vector_load %arg6[%swap3A_380, %swap3A_381] {strides = array<i32>} : memref<64x768xf32, #tpu.memory_space<vmem>>, vector<1x16xf32>,
      %swap3A_383 = vector.shape_cast %swap3A_382 : vector<1x16xf32> to vector<16xf32>
      %swap3A_384 = vector.shape_cast %get3A_204 : vector<16xf32> to vector<1x16xf32>
      tpu.vector_store %arg6[%swap3A_380, %swap3A_381], %swap3A_384 {add = true, strides = array<i32>} : memref<64x768xf32, #tpu.memory_space<vmem>>, vector<1x16xf32>,
      %swap3A_385 = arith.index_cast %scan3A_364 : i32 to index
      %swap3A_386 = arith.constant 64 : index
      %swap3A_387 = tpu.vector_load %arg6[%swap3A_385, %swap3A_386] {strides = array<i32>} : memref<64x768xf32, #tpu.memory_space<vmem>>, vector<1x16xf32>,
      %swap3A_388 = vector.shape_cast %swap3A_387 : vector<1x16xf32> to vector<16xf32>
      %swap3A_389 = vector.shape_cast %get3A_207 : vector<16xf32> to vector<1x16xf32>
      tpu.vector_store %arg6[%swap3A_385, %swap3A_386], %swap3A_389 {add = true, strides = array<i32>} : memref<64x768xf32, #tpu.memory_space<vmem>>, vector<1x16xf32>,
      %swap3A_390 = arith.index_cast %scan3A_364 : i32 to index
      %swap3A_391 = arith.constant 80 : index
      %swap3A_392 = tpu.vector_load %arg6[%swap3A_390, %swap3A_391] {strides = array<i32>} : memref<64x768xf32, #tpu.memory_space<vmem>>, vector<1x16xf32>,
      %swap3A_393 = vector.shape_cast %swap3A_392 : vector<1x16xf32> to vector<16xf32>
      %swap3A_394 = vector.shape_cast %get3A_210 : vector<16xf32> to vector<1x16xf32>
      tpu.vector_store %arg6[%swap3A_390, %swap3A_391], %swap3A_394 {add = true, strides = array<i32>} : memref<64x768xf32, #tpu.memory_space<vmem>>, vector<1x16xf32>,
      %swap3A_395 = arith.index_cast %scan3A_364 : i32 to index
      %swap3A_396 = arith.constant 96 : index
      %swap3A_397 = tpu.vector_load %arg6[%swap3A_395, %swap3A_396] {strides = array<i32>} : memref<64x768xf32, #tpu.memory_space<vmem>>, vector<1x16xf32>,
      %swap3A_398 = vector.shape_cast %swap3A_397 : vector<1x16xf32> to vector<16xf32>
      %swap3A_399 = vector.shape_cast %get3A_213 : vector<16xf32> to vector<1x16xf32>
      tpu.vector_store %arg6[%swap3A_395, %swap3A_396], %swap3A_399 {add = true, strides = array<i32>} : memref<64x768xf32, #tpu.memory_space<vmem>>, vector<1x16xf32>,
      %swap3A_400 = arith.index_cast %scan3A_364 : i32 to index
      %swap3A_401 = arith.constant 112 : index
      %swap3A_402 = tpu.vector_load %arg6[%swap3A_400, %swap3A_401] {strides = array<i32>} : memref<64x768xf32, #tpu.memory_space<vmem>>, vector<1x16xf32>,
      %swap3A_403 = vector.shape_cast %swap3A_402 : vector<1x16xf32> to vector<16xf32>
      %swap3A_404 = vector.shape_cast %get3A_216 : vector<16xf32> to vector<1x16xf32>
      tpu.vector_store %arg6[%swap3A_400, %swap3A_401], %swap3A_404 {add = true, strides = array<i32>} : memref<64x768xf32, #tpu.memory_space<vmem>>, vector<1x16xf32>,
      %swap3A_405 = arith.index_cast %scan3A_364 : i32 to index
      %swap3A_406 = arith.constant 128 : index
      %swap3A_407 = tpu.vector_load %arg6[%swap3A_405, %swap3A_406] {strides = array<i32>} : memref<64x768xf32, #tpu.memory_space<vmem>>, vector<1x16xf32>,
      %swap3A_408 = vector.shape_cast %swap3A_407 : vector<1x16xf32> to vector<16xf32>
      %swap3A_409 = vector.shape_cast %get3A_219 : vector<16xf32> to vector<1x16xf32>
      tpu.vector_store %arg6[%swap3A_405, %swap3A_406], %swap3A_409 {add = true, strides = array<i32>} : memref<64x768xf32, #tpu.memory_space<vmem>>, vector<1x16xf32>,
      %swap3A_410 = arith.index_cast %scan3A_364 : i32 to index
      %swap3A_411 = arith.constant 144 : index
      %swap3A_412 = tpu.vector_load %arg6[%swap3A_410, %swap3A_411] {strides = array<i32>} : memref<64x768xf32, #tpu.memory_space<vmem>>, vector<1x16xf32>,
      %swap3A_413 = vector.shape_cast %swap3A_412 : vector<1x16xf32> to vector<16xf32>
      %swap3A_414 = vector.shape_cast %get3A_222 : vector<16xf32> to vector<1x16xf32>
      tpu.vector_store %arg6[%swap3A_410, %swap3A_411], %swap3A_414 {add = true, strides = array<i32>} : memref<64x768xf32, #tpu.memory_space<vmem>>, vector<1x16xf32>,
      %swap3A_415 = arith.index_cast %scan3A_364 : i32 to index
      %swap3A_416 = arith.constant 160 : index
      %swap3A_417 = tpu.vector_load %arg6[%swap3A_415, %swap3A_416] {strides = array<i32>} : memref<64x768xf32, #tpu.memory_space<vmem>>, vector<1x16xf32>,
      %swap3A_418 = vector.shape_cast %swap3A_417 : vector<1x16xf32> to vector<16xf32>
      %swap3A_419 = vector.shape_cast %get3A_225 : vector<16xf32> to vector<1x16xf32>
      tpu.vector_store %arg6[%swap3A_415, %swap3A_416], %swap3A_419 {add = true, strides = array<i32>} : memref<64x768xf32, #tpu.memory_space<vmem>>, vector<1x16xf32>,
      %swap3A_420 = arith.index_cast %scan3A_364 : i32 to index
      %swap3A_421 = arith.constant 176 : index
      %swap3A_422 = tpu.vector_load %arg6[%swap3A_420, %swap3A_421] {strides = array<i32>} : memref<64x768xf32, #tpu.memory_space<vmem>>, vector<1x16xf32>,
      %swap3A_423 = vector.shape_cast %swap3A_422 : vector<1x16xf32> to vector<16xf32>
      %swap3A_424 = vector.shape_cast %get3A_228 : vector<16xf32> to vector<1x16xf32>
      tpu.vector_store %arg6[%swap3A_420, %swap3A_421], %swap3A_424 {add = true, strides = array<i32>} : memref<64x768xf32, #tpu.memory_space<vmem>>, vector<1x16xf32>,
      %swap3A_425 = arith.index_cast %scan3A_364 : i32 to index
      %swap3A_426 = arith.constant 192 : index
      %swap3A_427 = tpu.vector_load %arg6[%swap3A_425, %swap3A_426] {strides = array<i32>} : memref<64x768xf32, #tpu.memory_space<vmem>>, vector<1x16xf32>,
      %swap3A_428 = vector.shape_cast %swap3A_427 : vector<1x16xf32> to vector<16xf32>
      %swap3A_429 = vector.shape_cast %get3A_231 : vector<16xf32> to vector<1x16xf32>
      tpu.vector_store %arg6[%swap3A_425, %swap3A_426], %swap3A_429 {add = true, strides = array<i32>} : memref<64x768xf32, #tpu.memory_space<vmem>>, vector<1x16xf32>,
      %swap3A_430 = arith.index_cast %scan3A_364 : i32 to index
      %swap3A_431 = arith.constant 208 : index
      %swap3A_432 = tpu.vector_load %arg6[%swap3A_430, %swap3A_431] {strides = array<i32>} : memref<64x768xf32, #tpu.memory_space<vmem>>, vector<1x16xf32>,
      %swap3A_433 = vector.shape_cast %swap3A_432 : vector<1x16xf32> to vector<16xf32>
      %swap3A_434 = vector.shape_cast %get3A_234 : vector<16xf32> to vector<1x16xf32>
      tpu.vector_store %arg6[%swap3A_430, %swap3A_431], %swap3A_434 {add = true, strides = array<i32>} : memref<64x768xf32, #tpu.memory_space<vmem>>, vector<1x16xf32>,
      %swap3A_435 = arith.index_cast %scan3A_364 : i32 to index
      %swap3A_436 = arith.constant 224 : index
      %swap3A_437 = tpu.vector_load %arg6[%swap3A_435, %swap3A_436] {strides = array<i32>} : memref<64x768xf32, #tpu.memory_space<vmem>>, vector<1x16xf32>,
      %swap3A_438 = vector.shape_cast %swap3A_437 : vector<1x16xf32> to vector<16xf32>
      %swap3A_439 = vector.shape_cast %get3A_237 : vector<16xf32> to vector<1x16xf32>
      tpu.vector_store %arg6[%swap3A_435, %swap3A_436], %swap3A_439 {add = true, strides = array<i32>} : memref<64x768xf32, #tpu.memory_space<vmem>>, vector<1x16xf32>,
      %swap3A_440 = arith.index_cast %scan3A_364 : i32 to index
      %swap3A_441 = arith.constant 240 : index
      %swap3A_442 = tpu.vector_load %arg6[%swap3A_440, %swap3A_441] {strides = array<i32>} : memref<64x768xf32, #tpu.memory_space<vmem>>, vector<1x16xf32>,
      %swap3A_443 = vector.shape_cast %swap3A_442 : vector<1x16xf32> to vector<16xf32>
      %swap3A_444 = vector.shape_cast %get3A_240 : vector<16xf32> to vector<1x16xf32>
      tpu.vector_store %arg6[%swap3A_440, %swap3A_441], %swap3A_444 {add = true, strides = array<i32>} : memref<64x768xf32, #tpu.memory_space<vmem>>, vector<1x16xf32>,
      %swap3A_445 = arith.index_cast %scan3A_364 : i32 to index
      %swap3A_446 = arith.constant 256 : index
      %swap3A_447 = tpu.vector_load %arg6[%swap3A_445, %swap3A_446] {strides = array<i32>} : memref<64x768xf32, #tpu.memory_space<vmem>>, vector<1x16xf32>,
      %swap3A_448 = vector.shape_cast %swap3A_447 : vector<1x16xf32> to vector<16xf32>
      %swap3A_449 = vector.shape_cast %get3A_243 : vector<16xf32> to vector<1x16xf32>
      tpu.vector_store %arg6[%swap3A_445, %swap3A_446], %swap3A_449 {add = true, strides = array<i32>} : memref<64x768xf32, #tpu.memory_space<vmem>>, vector<1x16xf32>,
      %swap3A_450 = arith.index_cast %scan3A_364 : i32 to index
      %swap3A_451 = arith.constant 272 : index
      %swap3A_452 = tpu.vector_load %arg6[%swap3A_450, %swap3A_451] {strides = array<i32>} : memref<64x768xf32, #tpu.memory_space<vmem>>, vector<1x16xf32>,
      %swap3A_453 = vector.shape_cast %swap3A_452 : vector<1x16xf32> to vector<16xf32>
      %swap3A_454 = vector.shape_cast %get3A_246 : vector<16xf32> to vector<1x16xf32>
      tpu.vector_store %arg6[%swap3A_450, %swap3A_451], %swap3A_454 {add = true, strides = array<i32>} : memref<64x768xf32, #tpu.memory_space<vmem>>, vector<1x16xf32>,
      %swap3A_455 = arith.index_cast %scan3A_364 : i32 to index
      %swap3A_456 = arith.constant 288 : index
      %swap3A_457 = tpu.vector_load %arg6[%swap3A_455, %swap3A_456] {strides = array<i32>} : memref<64x768xf32, #tpu.memory_space<vmem>>, vector<1x16xf32>,
      %swap3A_458 = vector.shape_cast %swap3A_457 : vector<1x16xf32> to vector<16xf32>
      %swap3A_459 = vector.shape_cast %get3A_249 : vector<16xf32> to vector<1x16xf32>
      tpu.vector_store %arg6[%swap3A_455, %swap3A_456], %swap3A_459 {add = true, strides = array<i32>} : memref<64x768xf32, #tpu.memory_space<vmem>>, vector<1x16xf32>,
      %swap3A_460 = arith.index_cast %scan3A_364 : i32 to index
      %swap3A_461 = arith.constant 304 : index
      %swap3A_462 = tpu.vector_load %arg6[%swap3A_460, %swap3A_461] {strides = array<i32>} : memref<64x768xf32, #tpu.memory_space<vmem>>, vector<1x16xf32>,
      %swap3A_463 = vector.shape_cast %swap3A_462 : vector<1x16xf32> to vector<16xf32>
      %swap3A_464 = vector.shape_cast %get3A_252 : vector<16xf32> to vector<1x16xf32>
      tpu.vector_store %arg6[%swap3A_460, %swap3A_461], %swap3A_464 {add = true, strides = array<i32>} : memref<64x768xf32, #tpu.memory_space<vmem>>, vector<1x16xf32>,
      %swap3A_465 = arith.index_cast %scan3A_364 : i32 to index
      %swap3A_466 = arith.constant 320 : index
      %swap3A_467 = tpu.vector_load %arg6[%swap3A_465, %swap3A_466] {strides = array<i32>} : memref<64x768xf32, #tpu.memory_space<vmem>>, vector<1x16xf32>,
      %swap3A_468 = vector.shape_cast %swap3A_467 : vector<1x16xf32> to vector<16xf32>
      %swap3A_469 = vector.shape_cast %get3A_255 : vector<16xf32> to vector<1x16xf32>
      tpu.vector_store %arg6[%swap3A_465, %swap3A_466], %swap3A_469 {add = true, strides = array<i32>} : memref<64x768xf32, #tpu.memory_space<vmem>>, vector<1x16xf32>,
      %swap3A_470 = arith.index_cast %scan3A_364 : i32 to index
      %swap3A_471 = arith.constant 336 : index
      %swap3A_472 = tpu.vector_load %arg6[%swap3A_470, %swap3A_471] {strides = array<i32>} : memref<64x768xf32, #tpu.memory_space<vmem>>, vector<1x16xf32>,
      %swap3A_473 = vector.shape_cast %swap3A_472 : vector<1x16xf32> to vector<16xf32>
      %swap3A_474 = vector.shape_cast %get3A_258 : vector<16xf32> to vector<1x16xf32>
      tpu.vector_store %arg6[%swap3A_470, %swap3A_471], %swap3A_474 {add = true, strides = array<i32>} : memref<64x768xf32, #tpu.memory_space<vmem>>, vector<1x16xf32>,
      %swap3A_475 = arith.index_cast %scan3A_364 : i32 to index
      %swap3A_476 = arith.constant 352 : index
      %swap3A_477 = tpu.vector_load %arg6[%swap3A_475, %swap3A_476] {strides = array<i32>} : memref<64x768xf32, #tpu.memory_space<vmem>>, vector<1x16xf32>,
      %swap3A_478 = vector.shape_cast %swap3A_477 : vector<1x16xf32> to vector<16xf32>
      %swap3A_479 = vector.shape_cast %get3A_261 : vector<16xf32> to vector<1x16xf32>
      tpu.vector_store %arg6[%swap3A_475, %swap3A_476], %swap3A_479 {add = true, strides = array<i32>} : memref<64x768xf32, #tpu.memory_space<vmem>>, vector<1x16xf32>,
      %swap3A_480 = arith.index_cast %scan3A_364 : i32 to index
      %swap3A_481 = arith.constant 368 : index
      %swap3A_482 = tpu.vector_load %arg6[%swap3A_480, %swap3A_481] {strides = array<i32>} : memref<64x768xf32, #tpu.memory_space<vmem>>, vector<1x16xf32>,
      %swap3A_483 = vector.shape_cast %swap3A_482 : vector<1x16xf32> to vector<16xf32>
      %swap3A_484 = vector.shape_cast %get3A_264 : vector<16xf32> to vector<1x16xf32>
      tpu.vector_store %arg6[%swap3A_480, %swap3A_481], %swap3A_484 {add = true, strides = array<i32>} : memref<64x768xf32, #tpu.memory_space<vmem>>, vector<1x16xf32>,
      %swap3A_485 = arith.index_cast %scan3A_364 : i32 to index
      %swap3A_486 = arith.constant 384 : index
      %swap3A_487 = tpu.vector_load %arg6[%swap3A_485, %swap3A_486] {strides = array<i32>} : memref<64x768xf32, #tpu.memory_space<vmem>>, vector<1x16xf32>,
      %swap3A_488 = vector.shape_cast %swap3A_487 : vector<1x16xf32> to vector<16xf32>
      %swap3A_489 = vector.shape_cast %get3A_267 : vector<16xf32> to vector<1x16xf32>
      tpu.vector_store %arg6[%swap3A_485, %swap3A_486], %swap3A_489 {add = true, strides = array<i32>} : memref<64x768xf32, #tpu.memory_space<vmem>>, vector<1x16xf32>,
      %swap3A_490 = arith.index_cast %scan3A_364 : i32 to index
      %swap3A_491 = arith.constant 400 : index
      %swap3A_492 = tpu.vector_load %arg6[%swap3A_490, %swap3A_491] {strides = array<i32>} : memref<64x768xf32, #tpu.memory_space<vmem>>, vector<1x16xf32>,
      %swap3A_493 = vector.shape_cast %swap3A_492 : vector<1x16xf32> to vector<16xf32>
      %swap3A_494 = vector.shape_cast %get3A_270 : vector<16xf32> to vector<1x16xf32>
      tpu.vector_store %arg6[%swap3A_490, %swap3A_491], %swap3A_494 {add = true, strides = array<i32>} : memref<64x768xf32, #tpu.memory_space<vmem>>, vector<1x16xf32>,
      %swap3A_495 = arith.index_cast %scan3A_364 : i32 to index
      %swap3A_496 = arith.constant 416 : index
      %swap3A_497 = tpu.vector_load %arg6[%swap3A_495, %swap3A_496] {strides = array<i32>} : memref<64x768xf32, #tpu.memory_space<vmem>>, vector<1x16xf32>,
      %swap3A_498 = vector.shape_cast %swap3A_497 : vector<1x16xf32> to vector<16xf32>
      %swap3A_499 = vector.shape_cast %get3A_273 : vector<16xf32> to vector<1x16xf32>
      tpu.vector_store %arg6[%swap3A_495, %swap3A_496], %swap3A_499 {add = true, strides = array<i32>} : memref<64x768xf32, #tpu.memory_space<vmem>>, vector<1x16xf32>,
      %swap3A_500 = arith.index_cast %scan3A_364 : i32 to index
      %swap3A_501 = arith.constant 432 : index
      %swap3A_502 = tpu.vector_load %arg6[%swap3A_500, %swap3A_501] {strides = array<i32>} : memref<64x768xf32, #tpu.memory_space<vmem>>, vector<1x16xf32>,
      %swap3A_503 = vector.shape_cast %swap3A_502 : vector<1x16xf32> to vector<16xf32>
      %swap3A_504 = vector.shape_cast %get3A_276 : vector<16xf32> to vector<1x16xf32>
      tpu.vector_store %arg6[%swap3A_500, %swap3A_501], %swap3A_504 {add = true, strides = array<i32>} : memref<64x768xf32, #tpu.memory_space<vmem>>, vector<1x16xf32>,
      %swap3A_505 = arith.index_cast %scan3A_364 : i32 to index
      %swap3A_506 = arith.constant 448 : index
      %swap3A_507 = tpu.vector_load %arg6[%swap3A_505, %swap3A_506] {strides = array<i32>} : memref<64x768xf32, #tpu.memory_space<vmem>>, vector<1x16xf32>,
      %swap3A_508 = vector.shape_cast %swap3A_507 : vector<1x16xf32> to vector<16xf32>
      %swap3A_509 = vector.shape_cast %get3A_279 : vector<16xf32> to vector<1x16xf32>
      tpu.vector_store %arg6[%swap3A_505, %swap3A_506], %swap3A_509 {add = true, strides = array<i32>} : memref<64x768xf32, #tpu.memory_space<vmem>>, vector<1x16xf32>,
      %swap3A_510 = arith.index_cast %scan3A_364 : i32 to index
      %swap3A_511 = arith.constant 464 : index
      %swap3A_512 = tpu.vector_load %arg6[%swap3A_510, %swap3A_511] {strides = array<i32>} : memref<64x768xf32, #tpu.memory_space<vmem>>, vector<1x16xf32>,
      %swap3A_513 = vector.shape_cast %swap3A_512 : vector<1x16xf32> to vector<16xf32>
      %swap3A_514 = vector.shape_cast %get3A_282 : vector<16xf32> to vector<1x16xf32>
      tpu.vector_store %arg6[%swap3A_510, %swap3A_511], %swap3A_514 {add = true, strides = array<i32>} : memref<64x768xf32, #tpu.memory_space<vmem>>, vector<1x16xf32>,
      %swap3A_515 = arith.index_cast %scan3A_364 : i32 to index
      %swap3A_516 = arith.constant 480 : index
      %swap3A_517 = tpu.vector_load %arg6[%swap3A_515, %swap3A_516] {strides = array<i32>} : memref<64x768xf32, #tpu.memory_space<vmem>>, vector<1x16xf32>,
      %swap3A_518 = vector.shape_cast %swap3A_517 : vector<1x16xf32> to vector<16xf32>
      %swap3A_519 = vector.shape_cast %get3A_285 : vector<16xf32> to vector<1x16xf32>
      tpu.vector_store %arg6[%swap3A_515, %swap3A_516], %swap3A_519 {add = true, strides = array<i32>} : memref<64x768xf32, #tpu.memory_space<vmem>>, vector<1x16xf32>,
      %swap3A_520 = arith.index_cast %scan3A_364 : i32 to index
      %swap3A_521 = arith.constant 496 : index
      %swap3A_522 = tpu.vector_load %arg6[%swap3A_520, %swap3A_521] {strides = array<i32>} : memref<64x768xf32, #tpu.memory_space<vmem>>, vector<1x16xf32>,
      %swap3A_523 = vector.shape_cast %swap3A_522 : vector<1x16xf32> to vector<16xf32>
      %swap3A_524 = vector.shape_cast %get3A_288 : vector<16xf32> to vector<1x16xf32>
      tpu.vector_store %arg6[%swap3A_520, %swap3A_521], %swap3A_524 {add = true, strides = array<i32>} : memref<64x768xf32, #tpu.memory_space<vmem>>, vector<1x16xf32>,
      %swap3A_525 = arith.index_cast %scan3A_364 : i32 to index
      %swap3A_526 = arith.constant 512 : index
      %swap3A_527 = tpu.vector_load %arg6[%swap3A_525, %swap3A_526] {strides = array<i32>} : memref<64x768xf32, #tpu.memory_space<vmem>>, vector<1x16xf32>,
      %swap3A_528 = vector.shape_cast %swap3A_527 : vector<1x16xf32> to vector<16xf32>
      %swap3A_529 = vector.shape_cast %get3A_291 : vector<16xf32> to vector<1x16xf32>
      tpu.vector_store %arg6[%swap3A_525, %swap3A_526], %swap3A_529 {add = true, strides = array<i32>} : memref<64x768xf32, #tpu.memory_space<vmem>>, vector<1x16xf32>,
      %swap3A_530 = arith.index_cast %scan3A_364 : i32 to index
      %swap3A_531 = arith.constant 528 : index
      %swap3A_532 = tpu.vector_load %arg6[%swap3A_530, %swap3A_531] {strides = array<i32>} : memref<64x768xf32, #tpu.memory_space<vmem>>, vector<1x16xf32>,
      %swap3A_533 = vector.shape_cast %swap3A_532 : vector<1x16xf32> to vector<16xf32>
      %swap3A_534 = vector.shape_cast %get3A_294 : vector<16xf32> to vector<1x16xf32>
      tpu.vector_store %arg6[%swap3A_530, %swap3A_531], %swap3A_534 {add = true, strides = array<i32>} : memref<64x768xf32, #tpu.memory_space<vmem>>, vector<1x16xf32>,
      %swap3A_535 = arith.index_cast %scan3A_364 : i32 to index
      %swap3A_536 = arith.constant 544 : index
      %swap3A_537 = tpu.vector_load %arg6[%swap3A_535, %swap3A_536] {strides = array<i32>} : memref<64x768xf32, #tpu.memory_space<vmem>>, vector<1x16xf32>,
      %swap3A_538 = vector.shape_cast %swap3A_537 : vector<1x16xf32> to vector<16xf32>
      %swap3A_539 = vector.shape_cast %get3A_297 : vector<16xf32> to vector<1x16xf32>
      tpu.vector_store %arg6[%swap3A_535, %swap3A_536], %swap3A_539 {add = true, strides = array<i32>} : memref<64x768xf32, #tpu.memory_space<vmem>>, vector<1x16xf32>,
      %swap3A_540 = arith.index_cast %scan3A_364 : i32 to index
      %swap3A_541 = arith.constant 560 : index
      %swap3A_542 = tpu.vector_load %arg6[%swap3A_540, %swap3A_541] {strides = array<i32>} : memref<64x768xf32, #tpu.memory_space<vmem>>, vector<1x16xf32>,
      %swap3A_543 = vector.shape_cast %swap3A_542 : vector<1x16xf32> to vector<16xf32>
      %swap3A_544 = vector.shape_cast %get3A_300 : vector<16xf32> to vector<1x16xf32>
      tpu.vector_store %arg6[%swap3A_540, %swap3A_541], %swap3A_544 {add = true, strides = array<i32>} : memref<64x768xf32, #tpu.memory_space<vmem>>, vector<1x16xf32>,
      %swap3A_545 = arith.index_cast %scan3A_364 : i32 to index
      %swap3A_546 = arith.constant 576 : index
      %swap3A_547 = tpu.vector_load %arg6[%swap3A_545, %swap3A_546] {strides = array<i32>} : memref<64x768xf32, #tpu.memory_space<vmem>>, vector<1x16xf32>,
      %swap3A_548 = vector.shape_cast %swap3A_547 : vector<1x16xf32> to vector<16xf32>
      %swap3A_549 = vector.shape_cast %get3A_303 : vector<16xf32> to vector<1x16xf32>
      tpu.vector_store %arg6[%swap3A_545, %swap3A_546], %swap3A_549 {add = true, strides = array<i32>} : memref<64x768xf32, #tpu.memory_space<vmem>>, vector<1x16xf32>,
      %swap3A_550 = arith.index_cast %scan3A_364 : i32 to index
      %swap3A_551 = arith.constant 592 : index
      %swap3A_552 = tpu.vector_load %arg6[%swap3A_550, %swap3A_551] {strides = array<i32>} : memref<64x768xf32, #tpu.memory_space<vmem>>, vector<1x16xf32>,
      %swap3A_553 = vector.shape_cast %swap3A_552 : vector<1x16xf32> to vector<16xf32>
      %swap3A_554 = vector.shape_cast %get3A_306 : vector<16xf32> to vector<1x16xf32>
      tpu.vector_store %arg6[%swap3A_550, %swap3A_551], %swap3A_554 {add = true, strides = array<i32>} : memref<64x768xf32, #tpu.memory_space<vmem>>, vector<1x16xf32>,
      %swap3A_555 = arith.index_cast %scan3A_364 : i32 to index
      %swap3A_556 = arith.constant 608 : index
      %swap3A_557 = tpu.vector_load %arg6[%swap3A_555, %swap3A_556] {strides = array<i32>} : memref<64x768xf32, #tpu.memory_space<vmem>>, vector<1x16xf32>,
      %swap3A_558 = vector.shape_cast %swap3A_557 : vector<1x16xf32> to vector<16xf32>
      %swap3A_559 = vector.shape_cast %get3A_309 : vector<16xf32> to vector<1x16xf32>
      tpu.vector_store %arg6[%swap3A_555, %swap3A_556], %swap3A_559 {add = true, strides = array<i32>} : memref<64x768xf32, #tpu.memory_space<vmem>>, vector<1x16xf32>,
      %swap3A_560 = arith.index_cast %scan3A_364 : i32 to index
      %swap3A_561 = arith.constant 624 : index
      %swap3A_562 = tpu.vector_load %arg6[%swap3A_560, %swap3A_561] {strides = array<i32>} : memref<64x768xf32, #tpu.memory_space<vmem>>, vector<1x16xf32>,
      %swap3A_563 = vector.shape_cast %swap3A_562 : vector<1x16xf32> to vector<16xf32>
      %swap3A_564 = vector.shape_cast %get3A_312 : vector<16xf32> to vector<1x16xf32>
      tpu.vector_store %arg6[%swap3A_560, %swap3A_561], %swap3A_564 {add = true, strides = array<i32>} : memref<64x768xf32, #tpu.memory_space<vmem>>, vector<1x16xf32>,
      %swap3A_565 = arith.index_cast %scan3A_364 : i32 to index
      %swap3A_566 = arith.constant 640 : index
      %swap3A_567 = tpu.vector_load %arg6[%swap3A_565, %swap3A_566] {strides = array<i32>} : memref<64x768xf32, #tpu.memory_space<vmem>>, vector<1x16xf32>,
      %swap3A_568 = vector.shape_cast %swap3A_567 : vector<1x16xf32> to vector<16xf32>
      %swap3A_569 = vector.shape_cast %get3A_315 : vector<16xf32> to vector<1x16xf32>
      tpu.vector_store %arg6[%swap3A_565, %swap3A_566], %swap3A_569 {add = true, strides = array<i32>} : memref<64x768xf32, #tpu.memory_space<vmem>>, vector<1x16xf32>,
      %swap3A_570 = arith.index_cast %scan3A_364 : i32 to index
      %swap3A_571 = arith.constant 656 : index
      %swap3A_572 = tpu.vector_load %arg6[%swap3A_570, %swap3A_571] {strides = array<i32>} : memref<64x768xf32, #tpu.memory_space<vmem>>, vector<1x16xf32>,
      %swap3A_573 = vector.shape_cast %swap3A_572 : vector<1x16xf32> to vector<16xf32>
      %swap3A_574 = vector.shape_cast %get3A_318 : vector<16xf32> to vector<1x16xf32>
      tpu.vector_store %arg6[%swap3A_570, %swap3A_571], %swap3A_574 {add = true, strides = array<i32>} : memref<64x768xf32, #tpu.memory_space<vmem>>, vector<1x16xf32>,
      %swap3A_575 = arith.index_cast %scan3A_364 : i32 to index
      %swap3A_576 = arith.constant 672 : index
      %swap3A_577 = tpu.vector_load %arg6[%swap3A_575, %swap3A_576] {strides = array<i32>} : memref<64x768xf32, #tpu.memory_space<vmem>>, vector<1x16xf32>,
      %swap3A_578 = vector.shape_cast %swap3A_577 : vector<1x16xf32> to vector<16xf32>
      %swap3A_579 = vector.shape_cast %get3A_321 : vector<16xf32> to vector<1x16xf32>
      tpu.vector_store %arg6[%swap3A_575, %swap3A_576], %swap3A_579 {add = true, strides = array<i32>} : memref<64x768xf32, #tpu.memory_space<vmem>>, vector<1x16xf32>,
      %swap3A_580 = arith.index_cast %scan3A_364 : i32 to index
      %swap3A_581 = arith.constant 688 : index
      %swap3A_582 = tpu.vector_load %arg6[%swap3A_580, %swap3A_581] {strides = array<i32>} : memref<64x768xf32, #tpu.memory_space<vmem>>, vector<1x16xf32>,
      %swap3A_583 = vector.shape_cast %swap3A_582 : vector<1x16xf32> to vector<16xf32>
      %swap3A_584 = vector.shape_cast %get3A_324 : vector<16xf32> to vector<1x16xf32>
      tpu.vector_store %arg6[%swap3A_580, %swap3A_581], %swap3A_584 {add = true, strides = array<i32>} : memref<64x768xf32, #tpu.memory_space<vmem>>, vector<1x16xf32>,
      %swap3A_585 = arith.index_cast %scan3A_364 : i32 to index
      %swap3A_586 = arith.constant 704 : index
      %swap3A_587 = tpu.vector_load %arg6[%swap3A_585, %swap3A_586] {strides = array<i32>} : memref<64x768xf32, #tpu.memory_space<vmem>>, vector<1x16xf32>,
      %swap3A_588 = vector.shape_cast %swap3A_587 : vector<1x16xf32> to vector<16xf32>
      %swap3A_589 = vector.shape_cast %get3A_327 : vector<16xf32> to vector<1x16xf32>
      tpu.vector_store %arg6[%swap3A_585, %swap3A_586], %swap3A_589 {add = true, strides = array<i32>} : memref<64x768xf32, #tpu.memory_space<vmem>>, vector<1x16xf32>,
      %swap3A_590 = arith.index_cast %scan3A_364 : i32 to index
      %swap3A_591 = arith.constant 720 : index
      %swap3A_592 = tpu.vector_load %arg6[%swap3A_590, %swap3A_591] {strides = array<i32>} : memref<64x768xf32, #tpu.memory_space<vmem>>, vector<1x16xf32>,
      %swap3A_593 = vector.shape_cast %swap3A_592 : vector<1x16xf32> to vector<16xf32>
      %swap3A_594 = vector.shape_cast %get3A_330 : vector<16xf32> to vector<1x16xf32>
      tpu.vector_store %arg6[%swap3A_590, %swap3A_591], %swap3A_594 {add = true, strides = array<i32>} : memref<64x768xf32, #tpu.memory_space<vmem>>, vector<1x16xf32>,
      %swap3A_595 = arith.index_cast %scan3A_364 : i32 to index
      %swap3A_596 = arith.constant 736 : index
      %swap3A_597 = tpu.vector_load %arg6[%swap3A_595, %swap3A_596] {strides = array<i32>} : memref<64x768xf32, #tpu.memory_space<vmem>>, vector<1x16xf32>,
      %swap3A_598 = vector.shape_cast %swap3A_597 : vector<1x16xf32> to vector<16xf32>
      %swap3A_599 = vector.shape_cast %get3A_333 : vector<16xf32> to vector<1x16xf32>
      tpu.vector_store %arg6[%swap3A_595, %swap3A_596], %swap3A_599 {add = true, strides = array<i32>} : memref<64x768xf32, #tpu.memory_space<vmem>>, vector<1x16xf32>,
      %swap3A_600 = arith.index_cast %scan3A_364 : i32 to index
      %swap3A_601 = arith.constant 752 : index
      %swap3A_602 = tpu.vector_load %arg6[%swap3A_600, %swap3A_601] {strides = array<i32>} : memref<64x768xf32, #tpu.memory_space<vmem>>, vector<1x16xf32>,
      %swap3A_603 = vector.shape_cast %swap3A_602 : vector<1x16xf32> to vector<16xf32>
      %swap3A_604 = vector.shape_cast %get3A_336 : vector<16xf32> to vector<1x16xf32>
      tpu.vector_store %arg6[%swap3A_600, %swap3A_601], %swap3A_604 {add = true, strides = array<i32>} : memref<64x768xf32, #tpu.memory_space<vmem>>, vector<1x16xf32>,
      %scan3A_605 = arith.constant 0 : i32
      scf.yield %scan3A_605 : i32
    }
    %scan3A_343 = arith.constant 32 : i32
    %mul3A_344 = arith.constant 64 : i32
    %mul3A_345 = arith.muli %arg1, %mul3A_344 : i32
    %add3A_346 = arith.constant 32 : i32
    %add3A_347 = arith.addi %mul3A_345, %add3A_346 : i32
    %dma_start3A_348 = arith.constant 32 : i32
    %dma_start3A_349 = arith.constant 0 : i32
    %dma_start3A_350 = tpu.memref_slice %arg6[%dma_start3A_348, %dma_start3A_349] : memref<64x768xf32, #tpu.memory_space<vmem>> -> memref<32x768xf32, #tpu.memory_space<vmem>>
    %dma_start3A_351 = arith.constant 0 : i32
    %dma_start3A_352 = tpu.memref_slice %arg4[%add3A_347, %dma_start3A_351] : memref<1024x768xf32, #tpu.memory_space<hbm>> -> memref<32x768xf32, #tpu.memory_space<hbm>>
    %dma_start3A_353 = arith.constant 0 : i32
    %dma_start3A_354 = tpu.memref_slice %arg4[%add3A_347, %dma_start3A_353] : memref<1024x768xf32, #tpu.memory_space<hbm>> -> memref<32x768xf32, #tpu.memory_space<hbm>>
    %dma_start3A_355 = arith.constant 32 : i32
    %dma_start3A_356 = arith.constant 0 : i32
    %dma_start3A_357 = tpu.memref_slice %arg6[%dma_start3A_355, %dma_start3A_356] : memref<64x768xf32, #tpu.memory_space<vmem>> -> memref<32x768xf32, #tpu.memory_space<vmem>>
    tpu.enqueue_dma source(%dma_start3A_357 : memref<32x768xf32, #tpu.memory_space<vmem>>) target(%dma_start3A_354 : memref<32x768xf32, #tpu.memory_space<hbm>>) target_semaphore(%arg9 : memref<!tpu.dma_semaphore, #tpu.memory_space<semaphore_mem>>)
    %mul3A_358 = arith.constant 64 : i32
    %mul3A_359 = arith.muli %arg1, %mul3A_358 : i32
    %dma_wait3A_360 = arith.constant 0 : i32
    %dma_wait3A_361 = tpu.memref_slice %arg4[%mul3A_359, %dma_wait3A_360] : memref<1024x768xf32, #tpu.memory_space<hbm>> -> memref<64x768xf32, #tpu.memory_space<hbm>>
    %dma_wait3A_362 = arith.constant 0 : i32
    %dma_wait3A_363 = tpu.memref_slice %arg4[%mul3A_359, %dma_wait3A_362] : memref<1024x768xf32, #tpu.memory_space<hbm>> -> memref<64x768xf32, #tpu.memory_space<hbm>>
    tpu.wait_dma2 semaphore(%arg9 : memref<!tpu.dma_semaphore, #tpu.memory_space<semaphore_mem>>) src(%arg6 : memref<64x768xf32, #tpu.memory_space<vmem>>) dst(%dma_wait3A_363 : memref<64x768xf32, #tpu.memory_space<hbm>>)
    return
  }
}

</mosaic_0001>

<sc_bundles>
// kernel: kernel.3.cloned.1.call-start
scs
__scs_entry_jumppad:
0x0: {  	(pc) =	sbr.rel $0x88, $3  }
0x1: {  	(tag) =	ssettag $0x0;
	lr =	simm.s32 $0x1  }
0x2: {  	[smem:$0x3F9F] =	sst lr;
	_ =	strace $0xD0000000  }
0x3: {  	_ = 	snop  }
0x4: {  	_ = 	snop  }
0x5: {  	_ = 	snop  }
0x6: {  	_ = 	snop  }
0x7: {  	_ = 	snop  }
__scs_overlays_trampoline_lowered:
0x8: {  	[smem:$0x3FAE] =	sst s0  }
0x9: {  	[smem:$0x3FAF] =	sst s1  }
0xa: {  	[smem:$0x3FB0] =	sst s2  }
0xb: {  	[smem:$0x3FB1] =	sst s3  }
0xc: {  	[smem:$0x3FB2] =	sst s4  }
0xd: {  	[smem:$0x3FB3] =	sst s5  }
0xe: {  	[smem:$0x3FB4] =	sst s6  }
0xf: {  	[smem:$0x3FB5] =	sst s7  }
0x10: {  	[smem:$0x3FB6] =	sst s8  }
0x11: {  	[smem:$0x3FB7] =	sst s9;
	s0 =	simm.s32 @!p0 $0x0  }
0x12: {  	s1 =	sld [smem:$0x3F9D];
	s0 =	simm.s32 @p0 $0x1  }
0x13: {  	[smem:$0x3FB8] =	sst s0;
	s0 =	simm.s32 @!p1 $0x0  }
0x14: {  	s2 =	sld [smem:$0x3F9C];
	s0 =	simm.s32 @p1 $0x1  }
0x15: {  	[smem:$0x3FB9] =	sst s0;
	s0 =	simm.s32 @!p2 $0x0  }
0x16: {  	s3 =	sld [smem:$0x3FDB];
	s0 =	simm.s32 @p2 $0x1  }
0x17: {  	s4 =	simm.s32 $0x1BF5;
	[smem:$0x3FBB] =	sst s0  }
0x18: {  	s0 =	sld [smem:$0x3F9E];
	_ =	swait.ge [sflag:s4], $0x0  }
0x19: {  	s7 =	sld [smem:$0x3F9F]  }
0x1a: {  	s8 =	sadd.s32 $0xFFFFE003, lr  }
0x1b: {  	s9 =	sadd.s32 $0xFFFFFEF7, lr;
	s5 =	simm.s32 $0xFFFFFFFF;
	p2 =	slt.u32 s8, $0xFFFFF086  }
0x1c: {  	p1 =	slt.u32 s9, $0xF7A;
	s5 =	simm.s32 @!p2 $0x0  }
0x1d: {  	s5 =	simm.s32 @p1 $0x1;
	p0 =	seq.s32 s7, s2  }
0x1e: {  	s7 =	smul.u32 @!p0 $0xF7A, s2;
	p2 =	seq.s32 @!p0 s5, $0x0  }
0x1f: {  	s9 =	smul.u32 $0xF7A, s1;
	s8 =	simm.s32 @!p0 $0x1BF5;
	p2 =	por !p2, p0  }
0x20: {  	[sflag:s8] =	ssyncset.s32 @!p0 $0xFFFFF086;
	s6 =	sadd.s32 @!p0 s3, s7;
	s7 =	simm.s32 @!p0 $0x108  }
0x21: {  	s3 =	sadd.s32 s3, s9;
	s6 =	sadd.s32 @!p0 $0x88, s6;
	s7 =	simm.s32 @p2 $0x1082  }
0x22: {  	[simem:s7], [sflag:s8] =	dma.local @!p0 [hbm:s6], $0xF7A  }
0x23: {  	s9 =	sor.u32 $0xD0000000, s2;
	s6 =	simm.s32 $0x108;
	_ =	swait.ge @!p0 [sflag:s8], $0x0  }
0x24: {  	s3 =	sadd.s32 $0x88, s3;
	s6 =	simm.s32 @!p1 $0x1082;
	[sflag:s4] =	ssyncset.s32 $0xFFFFF086  }
0x25: {  	[simem:s6], [sflag:s4] =	dma.local [hbm:s3], $0xF7A  }
0x26: {  	[smem:$0x3F9F] =	sst s1;
	(tag) =	ssettag s2;
	_ =	strace s9  }
0x27: {  	s1 =	sld [smem:$0x3FAF]  }
0x28: {  	s2 =	sld [smem:$0x3FB0]  }
0x29: {  	s4 =	sld [smem:$0x3FB2]  }
0x2a: {  	p0 =	seq.s32 s5, $0x0;
	s5 =	sld [smem:$0x3FB3]  }
0x2b: {  	s6 =	sld [smem:$0x3FB4]  }
0x2c: {  	s7 =	sld [smem:$0x3FB5]  }
0x2d: {  	s3 =	simm.s32 $0x108;
	s8 =	sld [smem:$0x3FB6]  }
0x2e: {  	s3 =	simm.s32 @!p0 $0x1082;
	s9 =	sld [smem:$0x3FB7]  }
0x2f: {  	lr =	sadd.s32 s0, s3;
	s0 =	sld [smem:$0x3FAE]  }
0x30: {  	s3 =	sld [smem:$0x3FB1]  }
0x31: {  	[smem:$0x3FBA] =	sst s10  }
0x32: {  	s10 =	sld [smem:$0x3FB8];
	_ =	sdelay $0x3  }
0x33: {  	p0 =	seq.s32 s10, $0x1;
	s10 =	sld [smem:$0x3FBA];
	_ =	sdelay $0x3  }
0x34: {  	[smem:$0x3FBA] =	sst s10  }
0x35: {  	s10 =	sld [smem:$0x3FB9];
	_ =	sdelay $0x3  }
0x36: {  	p1 =	seq.s32 s10, $0x1;
	s10 =	sld [smem:$0x3FBA];
	_ =	sdelay $0x3  }
0x37: {  	[smem:$0x3FBA] =	sst s10  }
0x38: {  	s10 =	sld [smem:$0x3FBB]  }
0x39: {  	_ = 	snop;
	(pc) =	sbr.ind lr, $3  }
0x3a: {  	_ = 	snop  }
0x3b: {  	_ = 	snop  }
0x3c: {  	p2 =	seq.s32 s10, $0x1;
	s10 =	sld [smem:$0x3FBA]  }
0x3d: {  	_ =	shalt  }
0x3e: {  	_ =	shalt  }
0x3f: {  	_ =	shalt  }
0x40: {  	_ =	shalt  }
0x41: {  	_ =	shalt  }
0x42: {  	_ =	shalt  }
0x43: {  	_ =	shalt  }
0x44: {  	_ =	shalt  }
0x45: {  	_ =	shalt  }
0x46: {  	_ =	shalt  }
0x47: {  	_ =	shalt  }
0x48: {  	_ =	shalt  }
0x49: {  	_ =	shalt  }
0x4a: {  	_ =	shalt  }
0x4b: {  	_ =	shalt  }
0x4c: {  	_ =	shalt  }
0x4d: {  	_ =	shalt  }
0x4e: {  	_ =	shalt  }
0x4f: {  	_ =	shalt  }
0x50: {  	_ =	shalt  }
0x51: {  	_ =	shalt  }
0x52: {  	_ =	shalt  }
0x53: {  	_ =	shalt  }
0x54: {  	_ =	shalt  }
0x55: {  	_ =	shalt  }
0x56: {  	_ =	shalt  }
0x57: {  	_ =	shalt  }
0x58: {  	_ =	shalt  }
0x59: {  	_ =	shalt  }
0x5a: {  	_ =	shalt  }
0x5b: {  	_ =	shalt  }
0x5c: {  	_ =	shalt  }
0x5d: {  	_ =	shalt  }
0x5e: {  	_ =	shalt  }
0x5f: {  	_ =	shalt  }
0x60: {  	_ =	shalt  }
0x61: {  	_ =	shalt  }
0x62: {  	_ =	shalt  }
0x63: {  	_ =	shalt  }
0x64: {  	_ =	shalt  }
0x65: {  	_ =	shalt  }
0x66: {  	_ =	shalt  }
0x67: {  	_ =	shalt  }
0x68: {  	_ =	shalt  }
0x69: {  	_ =	shalt  }
0x6a: {  	_ =	shalt  }
0x6b: {  	_ =	shalt  }
0x6c: {  	_ =	shalt  }
0x6d: {  	_ =	shalt  }
0x6e: {  	_ =	shalt  }
0x6f: {  	_ =	shalt  }
0x70: {  	_ =	shalt  }
0x71: {  	_ =	shalt  }
0x72: {  	_ =	shalt  }
0x73: {  	_ =	shalt  }
0x74: {  	_ =	shalt  }
0x75: {  	_ =	shalt  }
0x76: {  	_ =	shalt  }
0x77: {  	_ =	shalt  }
0x78: {  	_ =	shalt  }
0x79: {  	_ =	shalt  }
0x7a: {  	_ =	shalt  }
0x7b: {  	_ =	shalt  }
0x7c: {  	_ =	shalt  }
0x7d: {  	_ =	shalt  }
0x7e: {  	_ =	shalt  }
0x7f: {  	_ =	shalt  }
0x80: {  	_ =	shalt  }
0x81: {  	_ =	shalt  }
0x82: {  	_ =	shalt  }
0x83: {  	_ =	shalt  }
0x84: {  	_ =	shalt  }
0x85: {  	_ =	shalt  }
0x86: {  	_ =	shalt  }
0x87: {  	_ =	shalt  }
.Lfunc_end0:
.L_simem_size_0:
called_computation_lowered:
.L_overlay_start_0:
0x88: {  	s0 =	sld [smem:$0x3FD9]  }
0x89: {  	s1 =	sld [smem:$0x3FFE];
	_ =	sdelay $0x3  }
0x8a: {  	s0 =	sadd.s32 s1, s0  }
0x8b: {  	[smem:$0x3FC6] =	sst s0  }
0x8c: {  	_ = 	snop  }
0x8d: {  	s0 =	sld [smem:$0x3FD0];
	(tm) =	ssettm $0x1  }
0x8e: {  	s16 =	sld [smem:$0x3FFB];
	_ =	sdelay $0x3  }
0x8f: {  	_ =	strace s16  }
0x90: {  	s1 =	sld [smem:$0x3FFC];
	_ =	sdelay $0x3  }
0x91: {  	_ =	strace s1  }
0x92: {  	s1 =	sld [smem:$0x3FFD];
	_ =	sdelay $0x3  }
0x93: {  	_ =	strace s1  }
0x94: {  	_ =	strace $0x8FFFFFFF  }
0x95: {  	s17 =	sld [smem:$0x3FDB];
	_ =	sdelay $0x1  }
0x96: {  	s2 =	simm.s32 $_scs_section_size  }
0x97: {  	s3 =	simm.s32 $_size__tile_overlayer_lowered;
	s4 =	simm.s32 $_tile_overlayer_lowered  }
0x98: {  	s20 =	simm.s32 $0x1BFF;
	s19 =	sshll.u32 s4, $0x1;
	s1 =	sadd.s32 s2, s17  }
0x99: {  	s5 =	simm.s32 $0x0;
	s18 =	sshll.u32 s3, $0x1;
	s3 =	sadd.s32 s19, s1  }
0x9a: {  	[timem:s5], [sflag:s20] =	dma.local [hbm:s3], s18  }
0x9b: {  	_ =	swait.ge [sflag:s20], s18  }
0x9c: {  	s2 =	ssub.s32 $0x0, s18;
	[sflag:s20] =	ssyncset.done $0x0  }
0x9d: {  	[sflag:s20] =	ssyncadd.s32 s2;
	_ =	sdelay $0x1  }
0x9e: {  	s21 =	simm.s32 $0x1B8B  }
0x9f: {  	_ =	swait.ge [sflag:s21], $0x1  }
0xa0: {  	[sflag:s21] =	ssyncset.done $0x0  }
0xa1: {  	s23 =	simm.s32 $0x1B8E;
	s22 =	sld [smem:$0x3FFE];
	[sflag:s21] =	ssyncadd.s32 $0xFFFFFFFF  }
0xa2: {  	s24 =	simm.s32 $execute0_lowered;
	[smem:$0x3FD2] =	sst s23  }
0xa3: {  	s3 =	sshll.u32 s24, $0x1;
	_ =	strace $0x80000046;
	[dreg:$0x1] =	wrdreg $0xFFFFFFFF  }
0xa4: {  	s25 =	simm.s32 $_size_execute0_lowered;
	s1 =	sadd.s32 s1, s3;
	[dreg:$0x0] =	wrdreg $0x0  }
0xa5: {  	s3 =	sshll.u32 s25, $0x1;
	[dreg:$0x2] =	wrdreg s1  }
0xa6: {  	[dreg:$0x3] =	wrdreg s3  }
0xa7: {  	[dreg:$0x4] =	wrdreg $0xC0  }
0xa8: {  	_ =	task [dreg:s5], $0x5FFFF  }
0xa9: {  	[dreg:$0x1] =	wrdreg $0xFFFFFFFF  }
0xaa: {  	[dreg:$0x0] =	wrdreg $0x60  }
0xab: {  	[dreg:$0x2] =	wrdreg s22  }
0xac: {  	[dreg:$0x3] =	wrdreg s0  }
0xad: {  	[dreg:$0x4] =	wrdreg $0x9  }
0xae: {  	_ =	task.clear_ibuf [dreg:s5], $0x5FFFF;
	_ =	strace $0x90000046  }
0xaf: {  	s26 =	simm.s32 $0x9;
	_ =	strace $0x80000048  }
0xb0: {  	_ =	swait.ge [sflag:s26], $0x1  }
0xb1: {  	[sflag:s26] =	ssyncadd.s32 $0xFFFFFFFF  }
0xb2: {  	_ =	strace $0x90000048  }
0xb3: {  	_ =	sfence  }
0xb4: {  	s28 =	sld [smem:$0x0];
	_ =	sdelay $0x1  }
0xb5: {  	s29 =	srdreg.scid  }
0xb6: {  	s30 =	sshll.u32 s29, $0xD;
	s31 =	sshrl.u32 s29, $0x2  }
0xb7: {  	s2 =	sand.u32 $0x4000, s30;
	s1 =	sand.u32 $0x1, s29;
	s0 =	sadd.s32 s31, s28  }
0xb8: {  	s1 =	sor.u32 s2, s1;
	s0 =	sshll.u32 s0, $0x11  }
0xb9: {  	s0 =	sor.u32 s0, s1  }
0xba: {  	s0 =	sadd.s32 $0x8F2B, s0  }
0xbb: {  	[sflag:s0] =	ssyncadd.remote.s32 $0x1  }
0xbc: {  	_ =	sfence.sel $0xFFFF  }
0xbd: {  	[dreg:$0x0] =	wrdreg $0xFFFFFFFF;
	(pc) =	sbr.abs _section_cstart, $3  }
0xbe: {  	[dreg:$0x1] =	wrdreg $0xFFFFFFFF  }
0xbf: {  	_ =	task.clear_ibuf [dreg:s5], $0x2FFFF;
	_ =	strace $0x9FFFFFFF  }
0xc0: {  	(tm) =	ssettm $0x7FFFFFFF  }
0xc1: {  	_ =	shalt  }
tec
execute0_lowered:
.L_overlay_start_1:
0x0: {  	(tag) =	ssettag $0x1  }
0x1: {  	s0 =	stileid.u32  }
0x2: {  	s5 =	smul.u32 $0x600, s0  }
0x3: {  	s4 =	rddreg [dreg:$0x0]  }
0x4: {  	s2 =	rddreg [dreg:$0x1];
	s3 =	simm.s32 $0x0;
	s5 =	sshrl.u32 s5, $0x3  }
0x5: {  	[smem:$0x7FF] =	sst s3;
	s5 =	sadd.s32 s4, s5  }
0x6: {  	s1 =	rddreg [dreg:$0x2];
	_ =	strace $0x80000047;
	s5 =	sadd.s32 $0x1060, s5  }
0x7: {  	[tilespmem:s3], [sflag:$0x1] =	stream.linear.gather [hbm4b:s5+s3], $0x600, $0x38;
	[tilespmem:$0xC600] =	vst v63  }
0x8: {  	s25 =	simm.s32 $0x600;
	s4 =	sadd.s32 $0x400, s4  }
0x9: {  	[tilespmem:s25], [sflag:$0x2] =	stream.linear.gather [hbm4b:s4+s3], $0x6000, $0x38;
	[tilespmem:$0xC600] =	vst v63  }
0xa: {  	s26 =	simm.s32 $0x6600;
	s28 =	simm.s32 $0x1  }
0xb: {  	[tilespmem:s26], [sflag:$0x2] =	stream.linear.gather [hbm4b:s4+s3], $0x6000, $0x38;
	[tilespmem:$0xC600] =	vst v63  }
0xc: {  	_ =	swait.ge [sflag:s28], $0x600  }
0xd: {  	[sflag:s28] =	ssyncset.done $0x0  }
0xe: {  	s29 =	simm.s32 $0x2;
	[sflag:s28] =	ssyncadd.s32 $0xFFFFFA00  }
0xf: {  	_ =	swait.ge [sflag:s29], $0x6000  }
0x10: {  	[sflag:s29] =	ssyncset.done $0x0  }
0x11: {  	[sflag:s29] =	ssyncadd.s32 $0xFFFFA000  }
0x12: {  	_ =	swait.ge [sflag:s29], $0x6000  }
0x13: {  	[sflag:s29] =	ssyncset.done $0x0  }
0x14: {  	[sflag:s29] =	ssyncadd.s32 $0xFFFFA000  }
0x15: {  	v0 =	vld [tilespmem:$0x0]  }
0x16: {  	v1 =	vld [tilespmem:$0x10]  }
0x17: {  	v2 =	vld [tilespmem:$0x20]  }
0x18: {  	v3 =	vld [tilespmem:$0x30]  }
0x19: {  	v4 =	vld [tilespmem:$0x40]  }
0x1a: {  	v5 =	vld [tilespmem:$0x50]  }
0x1b: {  	v6 =	vld [tilespmem:$0x60]  }
0x1c: {  	v7 =	vld [tilespmem:$0x70]  }
0x1d: {  	v8 =	vld [tilespmem:$0x80]  }
0x1e: {  	v9 =	vld [tilespmem:$0x90]  }
0x1f: {  	v10 =	vld [tilespmem:$0xA0]  }
0x20: {  	v11 =	vld [tilespmem:$0xB0]  }
0x21: {  	v12 =	vld [tilespmem:$0xC0]  }
0x22: {  	v13 =	vld [tilespmem:$0xD0]  }
0x23: {  	v14 =	vld [tilespmem:$0xE0]  }
0x24: {  	v15 =	vld [tilespmem:$0xF0]  }
0x25: {  	v16 =	vld [tilespmem:$0x100]  }
0x26: {  	v17 =	vld [tilespmem:$0x110]  }
0x27: {  	v18 =	vld [tilespmem:$0x120]  }
0x28: {  	v19 =	vld [tilespmem:$0x130]  }
0x29: {  	v20 =	vld [tilespmem:$0x140]  }
0x2a: {  	v21 =	vld [tilespmem:$0x150]  }
0x2b: {  	v22 =	vld [tilespmem:$0x160]  }
0x2c: {  	v23 =	vld [tilespmem:$0x170]  }
0x2d: {  	v24 =	vld [tilespmem:$0x180]  }
0x2e: {  	v25 =	vld [tilespmem:$0x190]  }
0x2f: {  	v26 =	vld [tilespmem:$0x1A0]  }
0x30: {  	v27 =	vld [tilespmem:$0x1B0]  }
0x31: {  	v28 =	vld [tilespmem:$0x1C0]  }
0x32: {  	v29 =	vld [tilespmem:$0x1D0]  }
0x33: {  	v30 =	vld [tilespmem:$0x1E0]  }
0x34: {  	v31 =	vld [tilespmem:$0x1F0]  }
0x35: {  	v32 =	vld [tilespmem:$0x200]  }
0x36: {  	v33 =	vld [tilespmem:$0x210]  }
0x37: {  	v34 =	vld [tilespmem:$0x220]  }
0x38: {  	v35 =	vld [tilespmem:$0x230]  }
0x39: {  	v36 =	vld [tilespmem:$0x240]  }
0x3a: {  	v37 =	vld [tilespmem:$0x250]  }
0x3b: {  	v38 =	vld [tilespmem:$0x260]  }
0x3c: {  	v39 =	vld [tilespmem:$0x270]  }
0x3d: {  	v40 =	vld [tilespmem:$0x280]  }
0x3e: {  	v41 =	vld [tilespmem:$0x290]  }
0x3f: {  	v42 =	vld [tilespmem:$0x2A0]  }
0x40: {  	s30 =	simm.s32 $0x0;
	v47 =	vld [tilespmem:$0x2F0]  }
0x41: {  	s4 =	smul.u32 $0x6000, s30;
	v43 =	vld [tilespmem:$0x2B0]  }
0x42: {  	v45 =	vld [tilespmem:$0x2C0]  }
0x43: {  	s31 =	sand.u32 $0x380, s3;
	s4 =	sshra.s32 s4, $0x2;
	v44 =	vld [tilespmem:$0x2D0]  }
0x44: {  	s4 =	sor.u32 s31, s4;
	v46 =	vld [tilespmem:$0x2E0]  }
0x45: {  	[tilespmem:s4+$0x1A70] =	vst.add.f32.msk $0xffff, v47  }
0x46: {  	[tilespmem:s4+$0x600] =	vst.add.f32.msk $0xffff, v0  }
0x47: {  	[tilespmem:s4+$0x610] =	vst.add.f32.msk $0xffff, v1  }
0x48: {  	[tilespmem:s4+$0x620] =	vst.add.f32.msk $0xffff, v2  }
0x49: {  	[tilespmem:s4+$0x630] =	vst.add.f32.msk $0xffff, v3  }
0x4a: {  	[tilespmem:s4+$0x640] =	vst.add.f32.msk $0xffff, v4  }
0x4b: {  	[tilespmem:s4+$0x650] =	vst.add.f32.msk $0xffff, v5  }
0x4c: {  	[tilespmem:s4+$0x660] =	vst.add.f32.msk $0xffff, v6  }
0x4d: {  	[tilespmem:s4+$0x670] =	vst.add.f32.msk $0xffff, v7  }
0x4e: {  	[tilespmem:s4+$0xA00] =	vst.add.f32.msk $0xffff, v8  }
0x4f: {  	[tilespmem:s4+$0xA10] =	vst.add.f32.msk $0xffff, v9  }
0x50: {  	[tilespmem:s4+$0xA20] =	vst.add.f32.msk $0xffff, v10  }
0x51: {  	[tilespmem:s4+$0xA30] =	vst.add.f32.msk $0xffff, v11  }
0x52: {  	[tilespmem:s4+$0xA40] =	vst.add.f32.msk $0xffff, v12  }
0x53: {  	[tilespmem:s4+$0xA50] =	vst.add.f32.msk $0xffff, v13  }
0x54: {  	[tilespmem:s4+$0xA60] =	vst.add.f32.msk $0xffff, v14  }
0x55: {  	[tilespmem:s4+$0xA70] =	vst.add.f32.msk $0xffff, v15  }
0x56: {  	[tilespmem:s4+$0xE00] =	vst.add.f32.msk $0xffff, v16  }
0x57: {  	[tilespmem:s4+$0xE10] =	vst.add.f32.msk $0xffff, v17  }
0x58: {  	[tilespmem:s4+$0xE20] =	vst.add.f32.msk $0xffff, v18  }
0x59: {  	[tilespmem:s4+$0xE30] =	vst.add.f32.msk $0xffff, v19  }
0x5a: {  	[tilespmem:s4+$0xE40] =	vst.add.f32.msk $0xffff, v20  }
0x5b: {  	[tilespmem:s4+$0xE50] =	vst.add.f32.msk $0xffff, v21  }
0x5c: {  	[tilespmem:s4+$0xE60] =	vst.add.f32.msk $0xffff, v22  }
0x5d: {  	[tilespmem:s4+$0xE70] =	vst.add.f32.msk $0xffff, v23  }
0x5e: {  	[tilespmem:s4+$0x1200] =	vst.add.f32.msk $0xffff, v24  }
0x5f: {  	[tilespmem:s4+$0x1210] =	vst.add.f32.msk $0xffff, v25  }
0x60: {  	[tilespmem:s4+$0x1220] =	vst.add.f32.msk $0xffff, v26  }
0x61: {  	[tilespmem:s4+$0x1230] =	vst.add.f32.msk $0xffff, v27  }
0x62: {  	[tilespmem:s4+$0x1240] =	vst.add.f32.msk $0xffff, v28  }
0x63: {  	[tilespmem:s4+$0x1250] =	vst.add.f32.msk $0xffff, v29  }
0x64: {  	[tilespmem:s4+$0x1260] =	vst.add.f32.msk $0xffff, v30  }
0x65: {  	[tilespmem:s4+$0x1270] =	vst.add.f32.msk $0xffff, v31  }
0x66: {  	[tilespmem:s4+$0x1600] =	vst.add.f32.msk $0xffff, v32  }
0x67: {  	[tilespmem:s4+$0x1610] =	vst.add.f32.msk $0xffff, v33  }
0x68: {  	[tilespmem:s4+$0x1620] =	vst.add.f32.msk $0xffff, v34  }
0x69: {  	[tilespmem:s4+$0x1630] =	vst.add.f32.msk $0xffff, v35  }
0x6a: {  	[tilespmem:s4+$0x1640] =	vst.add.f32.msk $0xffff, v36  }
0x6b: {  	[tilespmem:s4+$0x1650] =	vst.add.f32.msk $0xffff, v37  }
0x6c: {  	[tilespmem:s4+$0x1660] =	vst.add.f32.msk $0xffff, v38  }
0x6d: {  	[tilespmem:s4+$0x1670] =	vst.add.f32.msk $0xffff, v39  }
0x6e: {  	[tilespmem:s4+$0x1A00] =	vst.add.f32.msk $0xffff, v40  }
0x6f: {  	[tilespmem:s4+$0x1A10] =	vst.add.f32.msk $0xffff, v41  }
0x70: {  	s6 =	simm.s32 $0x0;
	s5 =	simm.s32 $0x2;
	[tilespmem:s4+$0x1A20] =	vst.add.f32.msk $0xffff, v42  }
.LBB2_1:
0x71: {  	p0 =	sne.s32 s5, $0x1F;
	s6 =	smul.u32 $0x6000, s6;
	[tilespmem:s4+$0x1A30] =	vst.add.f32.msk $0xffff, v43  }
0x72: {  	s3 =	sadd.s32 $0x80, s3;
	[tilespmem:s4+$0x1A40] =	vst.add.f32.msk $0xffff, v45  }
0x73: {  	s7 =	sand.u32 $0x380, s3;
	s6 =	sshra.s32 s6, $0x2;
	[tilespmem:s4+$0x1A50] =	vst.add.f32.msk $0xffff, v44  }
0x74: {  	[tilespmem:s4+$0x1A60] =	vst.add.f32.msk $0xffff, v46;
	s4 =	sor.u32 s7, s6  }
0x75: {  	[tilespmem:s4+$0x1A70] =	vst.add.f32.msk $0xffff, v47  }
0x76: {  	[tilespmem:s4+$0x600] =	vst.add.f32.msk $0xffff, v0  }
0x77: {  	[tilespmem:s4+$0x610] =	vst.add.f32.msk $0xffff, v1  }
0x78: {  	[tilespmem:s4+$0x620] =	vst.add.f32.msk $0xffff, v2  }
0x79: {  	[tilespmem:s4+$0x630] =	vst.add.f32.msk $0xffff, v3  }
0x7a: {  	[tilespmem:s4+$0x640] =	vst.add.f32.msk $0xffff, v4  }
0x7b: {  	[tilespmem:s4+$0x650] =	vst.add.f32.msk $0xffff, v5  }
0x7c: {  	[tilespmem:s4+$0x660] =	vst.add.f32.msk $0xffff, v6  }
0x7d: {  	[tilespmem:s4+$0x670] =	vst.add.f32.msk $0xffff, v7  }
0x7e: {  	[tilespmem:s4+$0xA00] =	vst.add.f32.msk $0xffff, v8  }
0x7f: {  	[tilespmem:s4+$0xA10] =	vst.add.f32.msk $0xffff, v9  }
0x80: {  	[tilespmem:s4+$0xA20] =	vst.add.f32.msk $0xffff, v10  }
0x81: {  	[tilespmem:s4+$0xA30] =	vst.add.f32.msk $0xffff, v11  }
0x82: {  	[tilespmem:s4+$0xA40] =	vst.add.f32.msk $0xffff, v12  }
0x83: {  	[tilespmem:s4+$0xA50] =	vst.add.f32.msk $0xffff, v13  }
0x84: {  	[tilespmem:s4+$0xA60] =	vst.add.f32.msk $0xffff, v14  }
0x85: {  	[tilespmem:s4+$0xA70] =	vst.add.f32.msk $0xffff, v15  }
0x86: {  	[tilespmem:s4+$0xE00] =	vst.add.f32.msk $0xffff, v16  }
0x87: {  	[tilespmem:s4+$0xE10] =	vst.add.f32.msk $0xffff, v17  }
0x88: {  	[tilespmem:s4+$0xE20] =	vst.add.f32.msk $0xffff, v18  }
0x89: {  	[tilespmem:s4+$0xE30] =	vst.add.f32.msk $0xffff, v19  }
0x8a: {  	[tilespmem:s4+$0xE40] =	vst.add.f32.msk $0xffff, v20  }
0x8b: {  	[tilespmem:s4+$0xE50] =	vst.add.f32.msk $0xffff, v21  }
0x8c: {  	[tilespmem:s4+$0xE60] =	vst.add.f32.msk $0xffff, v22  }
0x8d: {  	[tilespmem:s4+$0xE70] =	vst.add.f32.msk $0xffff, v23  }
0x8e: {  	[tilespmem:s4+$0x1200] =	vst.add.f32.msk $0xffff, v24  }
0x8f: {  	[tilespmem:s4+$0x1210] =	vst.add.f32.msk $0xffff, v25  }
0x90: {  	[tilespmem:s4+$0x1220] =	vst.add.f32.msk $0xffff, v26  }
0x91: {  	[tilespmem:s4+$0x1230] =	vst.add.f32.msk $0xffff, v27  }
0x92: {  	[tilespmem:s4+$0x1240] =	vst.add.f32.msk $0xffff, v28  }
0x93: {  	[tilespmem:s4+$0x1250] =	vst.add.f32.msk $0xffff, v29  }
0x94: {  	[tilespmem:s4+$0x1260] =	vst.add.f32.msk $0xffff, v30  }
0x95: {  	[tilespmem:s4+$0x1270] =	vst.add.f32.msk $0xffff, v31  }
0x96: {  	[tilespmem:s4+$0x1600] =	vst.add.f32.msk $0xffff, v32  }
0x97: {  	[tilespmem:s4+$0x1610] =	vst.add.f32.msk $0xffff, v33  }
0x98: {  	[tilespmem:s4+$0x1620] =	vst.add.f32.msk $0xffff, v34  }
0x99: {  	[tilespmem:s4+$0x1630] =	vst.add.f32.msk $0xffff, v35  }
0x9a: {  	[tilespmem:s4+$0x1640] =	vst.add.f32.msk $0xffff, v36  }
0x9b: {  	[tilespmem:s4+$0x1650] =	vst.add.f32.msk $0xffff, v37  }
.Ltmp0:
0x9c: {  	[tilespmem:s4+$0x1660] =	vst.add.f32.msk $0xffff, v38;
	(pc) =	sbr.rel @p0 .LBB2_1-.Ltmp0, $4  }
0x9d: {  	[tilespmem:s4+$0x1670] =	vst.add.f32.msk $0xffff, v39  }
0x9e: {  	[tilespmem:s4+$0x1A00] =	vst.add.f32.msk $0xffff, v40  }
0x9f: {  	[tilespmem:s4+$0x1A10] =	vst.add.f32.msk $0xffff, v41  }
0xa0: {  	s6 =	sshrl.u32 s5, $0x3;
	s5 =	sadd.s32 $0x1, s5;
	[tilespmem:s4+$0x1A20] =	vst.add.f32.msk $0xffff, v42  }
0xa1: {  	s5 =	smul.u32 $0x6000, s6;
	[tilespmem:s4+$0x1A30] =	vst.add.f32.msk $0xffff, v43  }
0xa2: {  	[tilespmem:s4+$0x1A40] =	vst.add.f32.msk $0xffff, v45;
	s3 =	sadd.s32 $0x80, s3  }
0xa3: {  	[tilespmem:s4+$0x1A50] =	vst.add.f32.msk $0xffff, v44;
	s3 =	sand.u32 $0x380, s3;
	s5 =	sshra.s32 s5, $0x2  }
0xa4: {  	[tilespmem:s4+$0x1A60] =	vst.add.f32.msk $0xffff, v46;
	s3 =	sor.u32 s3, s5  }
0xa5: {  	[tilespmem:s3+$0x1A70] =	vst.add.f32.msk $0xffff, v47  }
0xa6: {  	[tilespmem:s3+$0x600] =	vst.add.f32.msk $0xffff, v0  }
0xa7: {  	[tilespmem:s3+$0x610] =	vst.add.f32.msk $0xffff, v1  }
0xa8: {  	[tilespmem:s3+$0x620] =	vst.add.f32.msk $0xffff, v2  }
0xa9: {  	[tilespmem:s3+$0x630] =	vst.add.f32.msk $0xffff, v3  }
0xaa: {  	[tilespmem:s3+$0x640] =	vst.add.f32.msk $0xffff, v4  }
0xab: {  	[tilespmem:s3+$0x650] =	vst.add.f32.msk $0xffff, v5  }
0xac: {  	[tilespmem:s3+$0x660] =	vst.add.f32.msk $0xffff, v6  }
0xad: {  	[tilespmem:s3+$0x670] =	vst.add.f32.msk $0xffff, v7  }
0xae: {  	[tilespmem:s3+$0xA00] =	vst.add.f32.msk $0xffff, v8  }
0xaf: {  	[tilespmem:s3+$0xA10] =	vst.add.f32.msk $0xffff, v9  }
0xb0: {  	[tilespmem:s3+$0xA20] =	vst.add.f32.msk $0xffff, v10  }
0xb1: {  	[tilespmem:s3+$0xA30] =	vst.add.f32.msk $0xffff, v11  }
0xb2: {  	[tilespmem:s3+$0xA40] =	vst.add.f32.msk $0xffff, v12  }
0xb3: {  	[tilespmem:s3+$0xA50] =	vst.add.f32.msk $0xffff, v13  }
0xb4: {  	[tilespmem:s3+$0xA60] =	vst.add.f32.msk $0xffff, v14  }
0xb5: {  	[tilespmem:s3+$0xA70] =	vst.add.f32.msk $0xffff, v15  }
0xb6: {  	[tilespmem:s3+$0xE00] =	vst.add.f32.msk $0xffff, v16  }
0xb7: {  	[tilespmem:s3+$0xE10] =	vst.add.f32.msk $0xffff, v17  }
0xb8: {  	[tilespmem:s3+$0xE20] =	vst.add.f32.msk $0xffff, v18  }
0xb9: {  	[tilespmem:s3+$0xE30] =	vst.add.f32.msk $0xffff, v19  }
0xba: {  	[tilespmem:s3+$0xE40] =	vst.add.f32.msk $0xffff, v20  }
0xbb: {  	[tilespmem:s3+$0xE50] =	vst.add.f32.msk $0xffff, v21  }
0xbc: {  	[tilespmem:s3+$0xE60] =	vst.add.f32.msk $0xffff, v22  }
0xbd: {  	[tilespmem:s3+$0xE70] =	vst.add.f32.msk $0xffff, v23  }
0xbe: {  	[tilespmem:s3+$0x1200] =	vst.add.f32.msk $0xffff, v24  }
0xbf: {  	[tilespmem:s3+$0x1210] =	vst.add.f32.msk $0xffff, v25  }
0xc0: {  	[tilespmem:s3+$0x1220] =	vst.add.f32.msk $0xffff, v26  }
0xc1: {  	[tilespmem:s3+$0x1230] =	vst.add.f32.msk $0xffff, v27  }
0xc2: {  	[tilespmem:s3+$0x1240] =	vst.add.f32.msk $0xffff, v28  }
0xc3: {  	[tilespmem:s3+$0x1250] =	vst.add.f32.msk $0xffff, v29  }
0xc4: {  	[tilespmem:s3+$0x1260] =	vst.add.f32.msk $0xffff, v30  }
0xc5: {  	[tilespmem:s3+$0x1270] =	vst.add.f32.msk $0xffff, v31  }
0xc6: {  	[tilespmem:s3+$0x1600] =	vst.add.f32.msk $0xffff, v32  }
0xc7: {  	[tilespmem:s3+$0x1610] =	vst.add.f32.msk $0xffff, v33  }
0xc8: {  	[tilespmem:s3+$0x1620] =	vst.add.f32.msk $0xffff, v34  }
0xc9: {  	[tilespmem:s3+$0x1630] =	vst.add.f32.msk $0xffff, v35  }
0xca: {  	[tilespmem:s3+$0x1640] =	vst.add.f32.msk $0xffff, v36  }
0xcb: {  	[tilespmem:s3+$0x1650] =	vst.add.f32.msk $0xffff, v37  }
0xcc: {  	[tilespmem:s3+$0x1660] =	vst.add.f32.msk $0xffff, v38  }
0xcd: {  	[tilespmem:s3+$0x1670] =	vst.add.f32.msk $0xffff, v39  }
0xce: {  	[tilespmem:s3+$0x1A00] =	vst.add.f32.msk $0xffff, v40  }
0xcf: {  	[tilespmem:s3+$0x1A10] =	vst.add.f32.msk $0xffff, v41  }
0xd0: {  	[tilespmem:s3+$0x1A20] =	vst.add.f32.msk $0xffff, v42  }
0xd1: {  	[tilespmem:s3+$0x1A30] =	vst.add.f32.msk $0xffff, v43  }
0xd2: {  	s24 =	smul.u32 $0x1800, s0;
	[tilespmem:s3+$0x1A40] =	vst.add.f32.msk $0xffff, v45  }
0xd3: {  	[tilespmem:s3+$0x1A50] =	vst.add.f32.msk $0xffff, v44  }
0xd4: {  	s26 =	simm.s32 $0x0;
	s28 =	simm.s32 $0x600;
	s25 =	sadd.s32 s2, s24;
	[tilespmem:s3+$0x1A60] =	vst.add.f32.msk $0xffff, v46  }
0xd5: {  	[hbm4b:s25+s26] =	stream.linear.scatter [tilespmem:s28], [sflag:$0x3], $0x6000, $0x38;
	[tilespmem:$0xC600] =	vst v63  }
0xd6: {  	v0 =	vld [tilespmem:$0x300]  }
0xd7: {  	v1 =	vld [tilespmem:$0x310]  }
0xd8: {  	v2 =	vld [tilespmem:$0x320]  }
0xd9: {  	v3 =	vld [tilespmem:$0x330]  }
0xda: {  	v4 =	vld [tilespmem:$0x340]  }
0xdb: {  	v5 =	vld [tilespmem:$0x350]  }
0xdc: {  	v6 =	vld [tilespmem:$0x360]  }
0xdd: {  	v7 =	vld [tilespmem:$0x370]  }
0xde: {  	v8 =	vld [tilespmem:$0x380]  }
0xdf: {  	v9 =	vld [tilespmem:$0x390]  }
0xe0: {  	v10 =	vld [tilespmem:$0x3A0]  }
0xe1: {  	v11 =	vld [tilespmem:$0x3B0]  }
0xe2: {  	v12 =	vld [tilespmem:$0x3C0]  }
0xe3: {  	v13 =	vld [tilespmem:$0x3D0]  }
0xe4: {  	v14 =	vld [tilespmem:$0x3E0]  }
0xe5: {  	v15 =	vld [tilespmem:$0x3F0]  }
0xe6: {  	v16 =	vld [tilespmem:$0x400]  }
0xe7: {  	v17 =	vld [tilespmem:$0x410]  }
0xe8: {  	v18 =	vld [tilespmem:$0x420]  }
0xe9: {  	v19 =	vld [tilespmem:$0x430]  }
0xea: {  	v20 =	vld [tilespmem:$0x440]  }
0xeb: {  	v21 =	vld [tilespmem:$0x450]  }
0xec: {  	v22 =	vld [tilespmem:$0x460]  }
0xed: {  	v23 =	vld [tilespmem:$0x470]  }
0xee: {  	v24 =	vld [tilespmem:$0x480]  }
0xef: {  	v25 =	vld [tilespmem:$0x490]  }
0xf0: {  	v26 =	vld [tilespmem:$0x4A0]  }
0xf1: {  	v27 =	vld [tilespmem:$0x4B0]  }
0xf2: {  	v28 =	vld [tilespmem:$0x4C0]  }
0xf3: {  	v29 =	vld [tilespmem:$0x4D0]  }
0xf4: {  	v30 =	vld [tilespmem:$0x4E0]  }
0xf5: {  	v31 =	vld [tilespmem:$0x4F0]  }
0xf6: {  	v32 =	vld [tilespmem:$0x500]  }
0xf7: {  	v33 =	vld [tilespmem:$0x510]  }
0xf8: {  	v34 =	vld [tilespmem:$0x520]  }
0xf9: {  	v35 =	vld [tilespmem:$0x530]  }
0xfa: {  	v36 =	vld [tilespmem:$0x540]  }
0xfb: {  	v37 =	vld [tilespmem:$0x550]  }
0xfc: {  	v38 =	vld [tilespmem:$0x560]  }
0xfd: {  	v39 =	vld [tilespmem:$0x570]  }
0xfe: {  	v40 =	vld [tilespmem:$0x580]  }
0xff: {  	v41 =	vld [tilespmem:$0x590]  }
0x100: {  	v42 =	vld [tilespmem:$0x5A0]  }
0x101: {  	s29 =	simm.s32 $0x4;
	v47 =	vld [tilespmem:$0x5F0]  }
0x102: {  	s30 =	smul.u32 $0x6000, s29;
	v43 =	vld [tilespmem:$0x5B0]  }
0x103: {  	s3 =	simm.s32 $0x1000;
	v44 =	vld [tilespmem:$0x5C0]  }
0x104: {  	s4 =	sshra.s32 s30, $0x2;
	s31 =	sand.u32 $0x380, s3;
	v45 =	vld [tilespmem:$0x5D0]  }
0x105: {  	v46 =	vld [tilespmem:$0x5E0];
	s4 =	sor.u32 s31, s4  }
0x106: {  	[tilespmem:s4+$0x1A70] =	vst.add.f32.msk $0xffff, v47  }
0x107: {  	[tilespmem:s4+$0x600] =	vst.add.f32.msk $0xffff, v0  }
0x108: {  	[tilespmem:s4+$0x610] =	vst.add.f32.msk $0xffff, v1  }
0x109: {  	[tilespmem:s4+$0x620] =	vst.add.f32.msk $0xffff, v2  }
0x10a: {  	[tilespmem:s4+$0x630] =	vst.add.f32.msk $0xffff, v3  }
0x10b: {  	[tilespmem:s4+$0x640] =	vst.add.f32.msk $0xffff, v4  }
0x10c: {  	[tilespmem:s4+$0x650] =	vst.add.f32.msk $0xffff, v5  }
0x10d: {  	[tilespmem:s4+$0x660] =	vst.add.f32.msk $0xffff, v6  }
0x10e: {  	[tilespmem:s4+$0x670] =	vst.add.f32.msk $0xffff, v7  }
0x10f: {  	[tilespmem:s4+$0xA00] =	vst.add.f32.msk $0xffff, v8  }
0x110: {  	[tilespmem:s4+$0xA10] =	vst.add.f32.msk $0xffff, v9  }
0x111: {  	[tilespmem:s4+$0xA20] =	vst.add.f32.msk $0xffff, v10  }
0x112: {  	[tilespmem:s4+$0xA30] =	vst.add.f32.msk $0xffff, v11  }
0x113: {  	[tilespmem:s4+$0xA40] =	vst.add.f32.msk $0xffff, v12  }
0x114: {  	[tilespmem:s4+$0xA50] =	vst.add.f32.msk $0xffff, v13  }
0x115: {  	[tilespmem:s4+$0xA60] =	vst.add.f32.msk $0xffff, v14  }
0x116: {  	[tilespmem:s4+$0xA70] =	vst.add.f32.msk $0xffff, v15  }
0x117: {  	[tilespmem:s4+$0xE00] =	vst.add.f32.msk $0xffff, v16  }
0x118: {  	[tilespmem:s4+$0xE10] =	vst.add.f32.msk $0xffff, v17  }
0x119: {  	[tilespmem:s4+$0xE20] =	vst.add.f32.msk $0xffff, v18  }
0x11a: {  	[tilespmem:s4+$0xE30] =	vst.add.f32.msk $0xffff, v19  }
0x11b: {  	[tilespmem:s4+$0xE40] =	vst.add.f32.msk $0xffff, v20  }
0x11c: {  	[tilespmem:s4+$0xE50] =	vst.add.f32.msk $0xffff, v21  }
0x11d: {  	[tilespmem:s4+$0xE60] =	vst.add.f32.msk $0xffff, v22  }
0x11e: {  	[tilespmem:s4+$0xE70] =	vst.add.f32.msk $0xffff, v23  }
0x11f: {  	[tilespmem:s4+$0x1200] =	vst.add.f32.msk $0xffff, v24  }
0x120: {  	[tilespmem:s4+$0x1210] =	vst.add.f32.msk $0xffff, v25  }
0x121: {  	[tilespmem:s4+$0x1220] =	vst.add.f32.msk $0xffff, v26  }
0x122: {  	[tilespmem:s4+$0x1230] =	vst.add.f32.msk $0xffff, v27  }
0x123: {  	[tilespmem:s4+$0x1240] =	vst.add.f32.msk $0xffff, v28  }
0x124: {  	[tilespmem:s4+$0x1250] =	vst.add.f32.msk $0xffff, v29  }
0x125: {  	[tilespmem:s4+$0x1260] =	vst.add.f32.msk $0xffff, v30  }
0x126: {  	[tilespmem:s4+$0x1270] =	vst.add.f32.msk $0xffff, v31  }
0x127: {  	[tilespmem:s4+$0x1600] =	vst.add.f32.msk $0xffff, v32  }
0x128: {  	[tilespmem:s4+$0x1610] =	vst.add.f32.msk $0xffff, v33  }
0x129: {  	[tilespmem:s4+$0x1620] =	vst.add.f32.msk $0xffff, v34  }
0x12a: {  	[tilespmem:s4+$0x1630] =	vst.add.f32.msk $0xffff, v35  }
0x12b: {  	[tilespmem:s4+$0x1640] =	vst.add.f32.msk $0xffff, v36  }
0x12c: {  	[tilespmem:s4+$0x1650] =	vst.add.f32.msk $0xffff, v37  }
0x12d: {  	[tilespmem:s4+$0x1660] =	vst.add.f32.msk $0xffff, v38  }
0x12e: {  	[tilespmem:s4+$0x1670] =	vst.add.f32.msk $0xffff, v39  }
0x12f: {  	[tilespmem:s4+$0x1A00] =	vst.add.f32.msk $0xffff, v40  }
0x130: {  	[tilespmem:s4+$0x1A10] =	vst.add.f32.msk $0xffff, v41  }
0x131: {  	s6 =	simm.s32 $0x4;
	s5 =	simm.s32 $0x22;
	[tilespmem:s4+$0x1A20] =	vst.add.f32.msk $0xffff, v42  }
.LBB2_3:
0x132: {  	p0 =	sne.s32 s5, $0x3F;
	s6 =	smul.u32 $0x6000, s6;
	[tilespmem:s4+$0x1A30] =	vst.add.f32.msk $0xffff, v43  }
0x133: {  	s3 =	sadd.s32 $0x80, s3;
	[tilespmem:s4+$0x1A40] =	vst.add.f32.msk $0xffff, v44  }
0x134: {  	s7 =	sand.u32 $0x380, s3;
	s6 =	sshra.s32 s6, $0x2;
	[tilespmem:s4+$0x1A50] =	vst.add.f32.msk $0xffff, v45  }
0x135: {  	[tilespmem:s4+$0x1A60] =	vst.add.f32.msk $0xffff, v46;
	s4 =	sor.u32 s7, s6  }
0x136: {  	[tilespmem:s4+$0x1A70] =	vst.add.f32.msk $0xffff, v47  }
0x137: {  	[tilespmem:s4+$0x600] =	vst.add.f32.msk $0xffff, v0  }
0x138: {  	[tilespmem:s4+$0x610] =	vst.add.f32.msk $0xffff, v1  }
0x139: {  	[tilespmem:s4+$0x620] =	vst.add.f32.msk $0xffff, v2  }
0x13a: {  	[tilespmem:s4+$0x630] =	vst.add.f32.msk $0xffff, v3  }
0x13b: {  	[tilespmem:s4+$0x640] =	vst.add.f32.msk $0xffff, v4  }
0x13c: {  	[tilespmem:s4+$0x650] =	vst.add.f32.msk $0xffff, v5  }
0x13d: {  	[tilespmem:s4+$0x660] =	vst.add.f32.msk $0xffff, v6  }
0x13e: {  	[tilespmem:s4+$0x670] =	vst.add.f32.msk $0xffff, v7  }
0x13f: {  	[tilespmem:s4+$0xA00] =	vst.add.f32.msk $0xffff, v8  }
0x140: {  	[tilespmem:s4+$0xA10] =	vst.add.f32.msk $0xffff, v9  }
0x141: {  	[tilespmem:s4+$0xA20] =	vst.add.f32.msk $0xffff, v10  }
0x142: {  	[tilespmem:s4+$0xA30] =	vst.add.f32.msk $0xffff, v11  }
0x143: {  	[tilespmem:s4+$0xA40] =	vst.add.f32.msk $0xffff, v12  }
0x144: {  	[tilespmem:s4+$0xA50] =	vst.add.f32.msk $0xffff, v13  }
0x145: {  	[tilespmem:s4+$0xA60] =	vst.add.f32.msk $0xffff, v14  }
0x146: {  	[tilespmem:s4+$0xA70] =	vst.add.f32.msk $0xffff, v15  }
0x147: {  	[tilespmem:s4+$0xE00] =	vst.add.f32.msk $0xffff, v16  }
0x148: {  	[tilespmem:s4+$0xE10] =	vst.add.f32.msk $0xffff, v17  }
0x149: {  	[tilespmem:s4+$0xE20] =	vst.add.f32.msk $0xffff, v18  }
0x14a: {  	[tilespmem:s4+$0xE30] =	vst.add.f32.msk $0xffff, v19  }
0x14b: {  	[tilespmem:s4+$0xE40] =	vst.add.f32.msk $0xffff, v20  }
0x14c: {  	[tilespmem:s4+$0xE50] =	vst.add.f32.msk $0xffff, v21  }
0x14d: {  	[tilespmem:s4+$0xE60] =	vst.add.f32.msk $0xffff, v22  }
0x14e: {  	[tilespmem:s4+$0xE70] =	vst.add.f32.msk $0xffff, v23  }
0x14f: {  	[tilespmem:s4+$0x1200] =	vst.add.f32.msk $0xffff, v24  }
0x150: {  	[tilespmem:s4+$0x1210] =	vst.add.f32.msk $0xffff, v25  }
0x151: {  	[tilespmem:s4+$0x1220] =	vst.add.f32.msk $0xffff, v26  }
0x152: {  	[tilespmem:s4+$0x1230] =	vst.add.f32.msk $0xffff, v27  }
0x153: {  	[tilespmem:s4+$0x1240] =	vst.add.f32.msk $0xffff, v28  }
0x154: {  	[tilespmem:s4+$0x1250] =	vst.add.f32.msk $0xffff, v29  }
0x155: {  	[tilespmem:s4+$0x1260] =	vst.add.f32.msk $0xffff, v30  }
0x156: {  	[tilespmem:s4+$0x1270] =	vst.add.f32.msk $0xffff, v31  }
0x157: {  	[tilespmem:s4+$0x1600] =	vst.add.f32.msk $0xffff, v32  }
0x158: {  	[tilespmem:s4+$0x1610] =	vst.add.f32.msk $0xffff, v33  }
0x159: {  	[tilespmem:s4+$0x1620] =	vst.add.f32.msk $0xffff, v34  }
0x15a: {  	[tilespmem:s4+$0x1630] =	vst.add.f32.msk $0xffff, v35  }
0x15b: {  	[tilespmem:s4+$0x1640] =	vst.add.f32.msk $0xffff, v36  }
0x15c: {  	[tilespmem:s4+$0x1650] =	vst.add.f32.msk $0xffff, v37  }
.Ltmp1:
0x15d: {  	[tilespmem:s4+$0x1660] =	vst.add.f32.msk $0xffff, v38;
	(pc) =	sbr.rel @p0 .LBB2_3-.Ltmp1, $4  }
0x15e: {  	[tilespmem:s4+$0x1670] =	vst.add.f32.msk $0xffff, v39  }
0x15f: {  	[tilespmem:s4+$0x1A00] =	vst.add.f32.msk $0xffff, v40  }
0x160: {  	[tilespmem:s4+$0x1A10] =	vst.add.f32.msk $0xffff, v41  }
0x161: {  	s6 =	sshrl.u32 s5, $0x3;
	s5 =	sadd.s32 $0x1, s5;
	[tilespmem:s4+$0x1A20] =	vst.add.f32.msk $0xffff, v42  }
0x162: {  	s5 =	smul.u32 $0x6000, s6;
	[tilespmem:s4+$0x1A30] =	vst.add.f32.msk $0xffff, v43  }
0x163: {  	[tilespmem:s4+$0x1A40] =	vst.add.f32.msk $0xffff, v44;
	s3 =	sadd.s32 $0x80, s3  }
0x164: {  	[tilespmem:s4+$0x1A50] =	vst.add.f32.msk $0xffff, v45;
	s3 =	sand.u32 $0x380, s3;
	s5 =	sshra.s32 s5, $0x2  }
0x165: {  	[tilespmem:s4+$0x1A60] =	vst.add.f32.msk $0xffff, v46;
	s3 =	sor.u32 s3, s5  }
0x166: {  	[tilespmem:s3+$0x1A70] =	vst.add.f32.msk $0xffff, v47  }
0x167: {  	[tilespmem:s3+$0x600] =	vst.add.f32.msk $0xffff, v0  }
0x168: {  	[tilespmem:s3+$0x610] =	vst.add.f32.msk $0xffff, v1  }
0x169: {  	[tilespmem:s3+$0x620] =	vst.add.f32.msk $0xffff, v2  }
0x16a: {  	[tilespmem:s3+$0x630] =	vst.add.f32.msk $0xffff, v3  }
0x16b: {  	[tilespmem:s3+$0x640] =	vst.add.f32.msk $0xffff, v4  }
0x16c: {  	[tilespmem:s3+$0x650] =	vst.add.f32.msk $0xffff, v5  }
0x16d: {  	[tilespmem:s3+$0x660] =	vst.add.f32.msk $0xffff, v6  }
0x16e: {  	[tilespmem:s3+$0x670] =	vst.add.f32.msk $0xffff, v7  }
0x16f: {  	[tilespmem:s3+$0xA00] =	vst.add.f32.msk $0xffff, v8  }
0x170: {  	[tilespmem:s3+$0xA10] =	vst.add.f32.msk $0xffff, v9  }
0x171: {  	[tilespmem:s3+$0xA20] =	vst.add.f32.msk $0xffff, v10  }
0x172: {  	[tilespmem:s3+$0xA30] =	vst.add.f32.msk $0xffff, v11  }
0x173: {  	[tilespmem:s3+$0xA40] =	vst.add.f32.msk $0xffff, v12  }
0x174: {  	[tilespmem:s3+$0xA50] =	vst.add.f32.msk $0xffff, v13  }
0x175: {  	[tilespmem:s3+$0xA60] =	vst.add.f32.msk $0xffff, v14  }
0x176: {  	[tilespmem:s3+$0xA70] =	vst.add.f32.msk $0xffff, v15  }
0x177: {  	[tilespmem:s3+$0xE00] =	vst.add.f32.msk $0xffff, v16  }
0x178: {  	[tilespmem:s3+$0xE10] =	vst.add.f32.msk $0xffff, v17  }
0x179: {  	[tilespmem:s3+$0xE20] =	vst.add.f32.msk $0xffff, v18  }
0x17a: {  	[tilespmem:s3+$0xE30] =	vst.add.f32.msk $0xffff, v19  }
0x17b: {  	[tilespmem:s3+$0xE40] =	vst.add.f32.msk $0xffff, v20  }
0x17c: {  	[tilespmem:s3+$0xE50] =	vst.add.f32.msk $0xffff, v21  }
0x17d: {  	[tilespmem:s3+$0xE60] =	vst.add.f32.msk $0xffff, v22  }
0x17e: {  	[tilespmem:s3+$0xE70] =	vst.add.f32.msk $0xffff, v23  }
0x17f: {  	[tilespmem:s3+$0x1200] =	vst.add.f32.msk $0xffff, v24  }
0x180: {  	[tilespmem:s3+$0x1210] =	vst.add.f32.msk $0xffff, v25  }
0x181: {  	[tilespmem:s3+$0x1220] =	vst.add.f32.msk $0xffff, v26  }
0x182: {  	[tilespmem:s3+$0x1230] =	vst.add.f32.msk $0xffff, v27  }
0x183: {  	[tilespmem:s3+$0x1240] =	vst.add.f32.msk $0xffff, v28  }
0x184: {  	[tilespmem:s3+$0x1250] =	vst.add.f32.msk $0xffff, v29  }
0x185: {  	[tilespmem:s3+$0x1260] =	vst.add.f32.msk $0xffff, v30  }
0x186: {  	[tilespmem:s3+$0x1270] =	vst.add.f32.msk $0xffff, v31  }
0x187: {  	[tilespmem:s3+$0x1600] =	vst.add.f32.msk $0xffff, v32  }
0x188: {  	[tilespmem:s3+$0x1610] =	vst.add.f32.msk $0xffff, v33  }
0x189: {  	[tilespmem:s3+$0x1620] =	vst.add.f32.msk $0xffff, v34  }
0x18a: {  	[tilespmem:s3+$0x1630] =	vst.add.f32.msk $0xffff, v35  }
0x18b: {  	[tilespmem:s3+$0x1640] =	vst.add.f32.msk $0xffff, v36  }
0x18c: {  	[tilespmem:s3+$0x1650] =	vst.add.f32.msk $0xffff, v37  }
0x18d: {  	[tilespmem:s3+$0x1660] =	vst.add.f32.msk $0xffff, v38  }
0x18e: {  	[tilespmem:s3+$0x1670] =	vst.add.f32.msk $0xffff, v39  }
0x18f: {  	[tilespmem:s3+$0x1A00] =	vst.add.f32.msk $0xffff, v40  }
0x190: {  	[tilespmem:s3+$0x1A10] =	vst.add.f32.msk $0xffff, v41  }
0x191: {  	s28 =	smul.u32 $0xC000, s0;
	[tilespmem:s3+$0x1A20] =	vst.add.f32.msk $0xffff, v42  }
0x192: {  	[tilespmem:s3+$0x1A30] =	vst.add.f32.msk $0xffff, v43  }
0x193: {  	s4 =	sshrl.u32 s28, $0x3;
	[tilespmem:s3+$0x1A40] =	vst.add.f32.msk $0xffff, v44  }
0x194: {  	s29 =	simm.s32 $0x0;
	s2 =	sadd.s32 s2, s4;
	[tilespmem:s3+$0x1A50] =	vst.add.f32.msk $0xffff, v45  }
0x195: {  	s30 =	simm.s32 $0x6600;
	s31 =	simm.s32 $0x3;
	[tilespmem:s3+$0x1A60] =	vst.add.f32.msk $0xffff, v46;
	s2 =	sadd.s32 $0xC00, s2  }
0x196: {  	[hbm4b:s2+s29] =	stream.linear.scatter [tilespmem:s30], [sflag:$0x3], $0x6000, $0x38;
	[tilespmem:$0xC600] =	vst v63  }
0x197: {  	_ =	swait.ge [sflag:s31], $0xC000  }
0x198: {  	[sflag:s31] =	ssyncset.done $0x0  }
0x199: {  	[sflag:s31] =	ssyncadd.s32 $0xFFFF4000  }
0x19a: {  	_ =	sfence.sel $0x180000  }
0x19b: {  	[bflag:$0x0] =	sbarrier.arrive $0xFFFF  }
0x19c: {  	p0 =	sne.s32 s0, $0x0;
	_ =	strace $0x90000047  }
0x19d: {  	s0 =	sadd.s32 @!p0 $0x100000, s1;
	[bflag:$0x2] =	sbarrier.arrive $0xFFFF  }
0x19e: {  	[sflag:s0] =	ssyncadd.tile.s32 @!p0 $0x1;
	_ =	shalt  }
.Lfunc_end2:
_tile_overlayer_lowered:
.L_overlay_start_2:
0x19f: {  	(tag) =	ssettag $0x2  }
0x1a0: {  	s0 =	rddreg [dreg:$0x0];
	s2 =	stileid.u32  }
0x1a1: {  	s1 =	rddreg [dreg:$0x1];
	p0 =	sne.s32 s2, $0x0  }
0x1a2: {  	s3 =	rddreg [dreg:$0x2];
	[bflag:$0x3] =	sbarrier.arrive $0xFFFF;
	s2 =	simm.s32 @!p0 $0x1C04  }
0x1a3: {  	[timem:s3], [sflag:s2] =	dma.local @!p0 [hbm:s0], s1  }
0x1a4: {  	s0 =	simm.s32 @!p0 $0x4  }
0x1a5: {  	_ =	swait.ge @!p0 [sflag:s0], s1  }
0x1a6: {  	s1 =	ssub.s32 @!p0 $0x0, s1;
	[sflag:s0] =	ssyncset.done @!p0 $0x0  }
0x1a7: {  	[sflag:s0] =	ssyncadd.s32 @!p0 s1  }
0x1a8: {  	[bflag:$0x3] =	sbarrier.arrive $0xFFFF  }
0x1a9: {  	_ =	shalt  }

</sc_bundles>
